<compile_context>
chip_gen: v7x
topology: tpu7x:2x2x1
jax: 0.10.2.dev20260603
libtpu: 0.0.44.dev20260713+nightly
codegen_flags: <defaults>
</compile_context>

<pallas_src>
import dataclasses
import functools

import jax
import numpy as np
import jax.numpy as jnp
from jax import lax
from jax.experimental import pallas as pl
from jax.experimental.pallas import tpu as pltpu
from jax.experimental.pallas import tpu_sc as plsc

N = 10000
E = 320000
D = 128
G = 64
NP = 10112
EB = 2560
EPAD = EB * 128 - E
NC = 2
NS = 16
WPW = EB // (NC * NS)
RPS = NP // NS

_mesh = plsc.VectorSubcoreMesh(core_axis_name="c", subcore_axis_name="s")
_HIGH = jax.lax.Precision.HIGHEST

_PAD_I = np.arange(EPAD, dtype=np.int32)
_SRC_PAD = (_PAD_I % 128).reshape(EPAD // 128, 128)
_DST_PAD = (N + _PAD_I % (NP - N)).reshape(EPAD // 128, 128).astype(np.int32)


_deg_params = pltpu.CompilerParams()
if "needs_layout_passes" in pltpu.CompilerParams.__dataclass_fields__:
    _deg_params = dataclasses.replace(_deg_params, needs_layout_passes=False)


@functools.partial(
    pl.kernel,
    out_type=jax.ShapeDtypeStruct((NC, NS, NP), jnp.float32),
    mesh=_mesh,
    scratch_types=[
        pltpu.VMEM((NP,), jnp.float32),
        pltpu.VMEM((WPW, 128), jnp.int32),
    ],
    compiler_params=_deg_params,
)
def _deg_kernel(dst_hbm, out_hbm, hist, didx):
    c = lax.axis_index("c")
    s = lax.axis_index("s")
    wid = s * NC + c

    @pl.loop(0, NP, step=16)
    def _(r):
        hist[pl.ds(r, 16)] = jnp.zeros((16,), jnp.float32)

    pltpu.sync_copy(dst_hbm.at[pl.ds(wid * WPW, WPW)], didx)
    ones = jnp.ones((16,), jnp.float32)

    @pl.loop(0, WPW)
    def _(j):
        @pl.loop(0, 128, step=16)
        def _(k):
            plsc.addupdate_scatter(hist, [didx[j, pl.ds(k, 16)]], ones)

    pltpu.sync_copy(hist, out_hbm.at[c, s])


@functools.partial(
    pl.kernel,
    out_type=jax.ShapeDtypeStruct((NC, NP, D), jnp.float32),
    mesh=_mesh,
    scratch_types=[
        pltpu.VMEM_SHARED((NP, D), jnp.float32),
        pltpu.VMEM((40, 128), jnp.int32),
        pltpu.VMEM((40, 128), jnp.int32),
        pltpu.VMEM((128, D), jnp.float32),
        pltpu.VMEM((128, D), jnp.float32),
        pltpu.SemaphoreType.DMA,
        pltpu.SemaphoreType.DMA,
    ],
)
def _spmm_kernel(g_hbm, src_hbm, dst_hbm, out_hbm, acc, sidx, didx,
                 rows0, rows1, sem0, sem1):
    c = lax.axis_index("c")
    s = lax.axis_index("s")
    wid = s * NC + c

    @pl.loop(0, 128)
    def _(r):
        @pl.loop(0, D, step=16)
        def _(k):
            rows0[r, pl.ds(k, 16)] = jnp.zeros((16,), jnp.float32)

    @pl.loop(0, 4)
    def _(i):
        pltpu.sync_copy(rows0, acc.at[pl.ds(s * RPS + i * 128, 128)])

    pltpu.sync_copy(rows0.at[pl.ds(0, 120)], acc.at[pl.ds(s * RPS + 512, 120)])
    plsc.subcore_barrier()

    @pl.loop(0, WPW // 40)
    def _(t):
        base = wid * WPW + t * 40
        pltpu.sync_copy(src_hbm.at[pl.ds(base, 40)], sidx)
        pltpu.sync_copy(dst_hbm.at[pl.ds(base, 40)], didx)
        pltpu.async_copy(g_hbm.at[sidx.at[0]], rows0, sem0)

        @pl.loop(0, 40, step=2)
        def _(j):
            pltpu.make_async_copy(g_hbm.at[sidx.at[j]], rows0, sem0).wait()
            pltpu.async_copy(g_hbm.at[sidx.at[j + 1]], rows1, sem1)
            pltpu.sync_copy(rows0, acc.at[didx.at[j]], add=True)
            pltpu.make_async_copy(g_hbm.at[sidx.at[j + 1]], rows1, sem1).wait()

            @pl.when(j + 2 < 40)
            def _():
                pltpu.async_copy(g_hbm.at[sidx.at[j + 2]], rows0, sem0)

            pltpu.sync_copy(rows1, acc.at[didx.at[j + 1]], add=True)

    plsc.subcore_barrier()
    pltpu.sync_copy(acc.at[pl.ds(s * RPS, RPS)], out_hbm.at[c, pl.ds(s * RPS, RPS)])


BR = 2528


def _tc1a_body(x_ref, w_ref, g_ref):
    g_ref[...] = jnp.dot(x_ref[...], w_ref[...],
                         preferred_element_type=jnp.float32, precision=_HIGH)


_tc1a = pl.pallas_call(
    _tc1a_body,
    grid=(NP // BR,),
    in_specs=[
        pl.BlockSpec((BR, D), lambda i: (i, 0)),
        pl.BlockSpec((D, D), lambda i: (0, 0)),
    ],
    out_specs=pl.BlockSpec((BR, D), lambda i: (i, 0)),
    out_shape=jax.ShapeDtypeStruct((NP, D), jnp.float32),
)


def _tc1b_body(graw_ref, hist_ref, g_ref, dinv_ref):
    deg = 1.0 + jnp.sum(hist_ref[...], axis=1, keepdims=True)
    dinv = lax.rsqrt(jnp.maximum(deg, 1.0))
    g_ref[...] = graw_ref[...] * dinv
    dinv_ref[...] = dinv


_tc1b = pl.pallas_call(
    _tc1b_body,
    grid=(NP // BR,),
    in_specs=[
        pl.BlockSpec((BR, D), lambda i: (i, 0)),
        pl.BlockSpec((BR, NC * NS), lambda i: (i, 0)),
    ],
    out_specs=[
        pl.BlockSpec((BR, D), lambda i: (i, 0)),
        pl.BlockSpec((BR, 1), lambda i: (i, 0)),
    ],
    out_shape=[
        jax.ShapeDtypeStruct((NP, D), jnp.float32),
        jax.ShapeDtypeStruct((NP, 1), jnp.float32),
    ],
)


def _tc2_body(s_ref, g1_ref, dinv_ref, b_ref, w_ref, g2_ref):
    dinv = dinv_ref[...]
    h1 = jnp.maximum(dinv * (s_ref[0] + s_ref[1] + g1_ref[...]) + b_ref[...], 0.0)
    g2_ref[...] = jnp.dot(h1, w_ref[...],
                          preferred_element_type=jnp.float32, precision=_HIGH) * dinv


_tc2 = pl.pallas_call(
    _tc2_body,
    grid=(NP // BR,),
    in_specs=[
        pl.BlockSpec((NC, BR, D), lambda i: (0, i, 0)),
        pl.BlockSpec((BR, D), lambda i: (i, 0)),
        pl.BlockSpec((BR, 1), lambda i: (i, 0)),
        pl.BlockSpec((1, D), lambda i: (0, 0)),
        pl.BlockSpec((D, D), lambda i: (0, 0)),
    ],
    out_specs=pl.BlockSpec((BR, D), lambda i: (i, 0)),
    out_shape=jax.ShapeDtypeStruct((NP, D), jnp.float32),
)


def _tc3_body(s_ref, g2_ref, dinv_ref, b_ref, batch_ref, wl_ref, bl_ref, out_ref):
    dinv = dinv_ref[...]
    h2 = jnp.maximum(dinv * (s_ref[0] + s_ref[1] + g2_ref[...]) + b_ref[...], 0.0)
    h2 = jnp.where(lax.broadcasted_iota(jnp.int32, (NP, 1), 0) < N, h2, 0.0)
    oh = (lax.broadcasted_iota(jnp.int32, (G, NP), 0)
          == batch_ref[...]).astype(jnp.float32)
    sums = lax.dot_general(oh, h2, (((1,), (0,)), ((), ())),
                           preferred_element_type=jnp.float32, precision=_HIGH)
    counts = jnp.sum(oh, axis=1).reshape(G, 1)
    pooled = sums / jnp.maximum(counts, 1.0)
    out_ref[...] = jnp.dot(pooled, wl_ref[...],
                           preferred_element_type=jnp.float32, precision=_HIGH) + bl_ref[...]


_tc3 = pl.pallas_call(
    _tc3_body,
    in_specs=[
        pl.BlockSpec((NC, NP, D), lambda: (0, 0, 0)),
        pl.BlockSpec((NP, D), lambda: (0, 0)),
        pl.BlockSpec((NP, 1), lambda: (0, 0)),
        pl.BlockSpec((1, D), lambda: (0, 0)),
        pl.BlockSpec((1, NP), lambda: (0, 0)),
        pl.BlockSpec((D, 1), lambda: (0, 0)),
        pl.BlockSpec((1, 1), lambda: (0, 0)),
    ],
    out_specs=pl.BlockSpec((G, 1), lambda: (0, 0)),
    out_shape=jax.ShapeDtypeStruct((G, 1), jnp.float32),
)


def kernel(x, edge_index, batch, W1, b1, W2, b2, Wl, bl):
    x = x.astype(jnp.float32)
    src = edge_index[0]
    dst = edge_index[1]
    dst2d = jnp.concatenate([dst.reshape(E // 128, 128), _DST_PAD])
    x_pad = jnp.pad(x, ((0, NP - N), (0, 0)))
    batch_pad = jnp.pad(batch.astype(jnp.int32), (0, NP - N),
                        constant_values=G).reshape(1, NP)

    hist = _deg_kernel(dst2d)
    src_d = lax.optimization_barrier((src, hist))[0]
    src2d = jnp.concatenate([src_d.reshape(E // 128, 128), _SRC_PAD])
    g1raw = _tc1a(x_pad, W1)
    g1, dinv = _tc1b(g1raw, hist.reshape(NC * NS, NP).T)
    s1 = _spmm_kernel(g1, src2d, dst2d)
    g2 = _tc2(s1, g1, dinv, b1.reshape(1, D), W2)
    s2 = _spmm_kernel(g2, src2d, dst2d)
    out = _tc3(s2, g2, dinv, b2.reshape(1, D), batch_pad,
               Wl, bl.reshape(1, 1))
    return out.reshape(-1)

# --- scband reference (transcript-rebuilt; emitter-appended) ---
"""Pipeline reference for scband-gcn-71614284693688 (READ-ONLY COPY).

The authoritative reference and input builder live on the scoring server;
editing this copy changes nothing except your own understanding.
"""

import jax, jax.numpy as jnp
import numpy as np

N_NODES = 10000
N_EDGES = 320000
D_IN = 128
D_HID = 128
N_GRAPHS = 64


def setup_inputs(seed: int = 0) -> dict:
    key = jax.random.key(seed)
    k = jax.random.split(key, 10)
    x = jax.random.normal(k[0], (N_NODES, D_IN), dtype=jnp.float32)
    edge_index = jax.random.randint(k[1], (2, N_EDGES), 0, N_NODES)
    batch = jnp.sort(jax.random.randint(k[2], (N_NODES,), 0, N_GRAPHS))
    s1 = 1.0 / np.sqrt(D_IN)
    s2 = 1.0 / np.sqrt(D_HID)
    W1 = jax.random.uniform(k[3], (D_IN, D_HID), jnp.float32, -s1, s1)
    b1 = jax.random.uniform(k[4], (D_HID,), jnp.float32, -s1, s1)
    W2 = jax.random.uniform(k[5], (D_HID, D_HID), jnp.float32, -s2, s2)
    b2 = jax.random.uniform(k[6], (D_HID,), jnp.float32, -s2, s2)
    Wl = jax.random.uniform(k[7], (D_HID, 1), jnp.float32, -s2, s2)
    bl = jax.random.uniform(k[8], (1,), jnp.float32, -s2, s2)
    return {"x": x, "edge_index": edge_index, "batch": batch,
            "W1": W1, "b1": b1, "W2": W2, "b2": b2, "Wl": Wl, "bl": bl}


def _gcn_conv(x, W, b, src, dst, norm, n):
    h = x @ W
    msg = h[src] * norm[:, None]
    out = jax.ops.segment_sum(msg, dst, num_segments=n)
    return out + b


def reference(x, edge_index, batch, W1, b1, W2, b2, Wl, bl):
    x = x.astype(jnp.float32)
    n = x.shape[0]
    loop = jnp.arange(n, dtype=edge_index.dtype)
    src = jnp.concatenate([edge_index[0], loop])
    dst = jnp.concatenate([edge_index[1], loop])
    # symmetric normalization with self-loops (PyG GCNConv default)
    deg = jax.ops.segment_sum(jnp.ones_like(dst, dtype=jnp.float32), dst, num_segments=n)
    dinv = jax.lax.rsqrt(jnp.maximum(deg, 1.0))
    norm = dinv[src] * dinv[dst]
    h = jax.nn.relu(_gcn_conv(x, W1, b1, src, dst, norm, n))
    # dropout p=0.0 -> identity
    h = jax.nn.relu(_gcn_conv(h, W2, b2, src, dst, norm, n))
    # global mean pool over graphs
    sums = jax.ops.segment_sum(h, batch, num_segments=N_GRAPHS)
    counts = jax.ops.segment_sum(jnp.ones((n,), jnp.float32), batch, num_segments=N_GRAPHS)
    pooled = sums / jnp.maximum(counts, 1.0)[:, None]
    out = pooled @ Wl + bl
    return out.reshape(-1)

if __name__ == "__main__":
    import jax
    _d = setup_inputs()
    print(jax.jit(kernel)(*tuple(_d.values())))

</pallas_src>

<mosaic_0001>
#map = affine_map<(d0, d1) -> (0, 0)>
#map1 = affine_map<(d0, d1) -> (0, 0, 0)>
module attributes {stable_mosaic.version = 14 : i64} {
  func.func @_deg_kernel(%arg0: i32, %arg1: i32, %arg2: memref<2560x128xi32, #tpu.memory_space<hbm>>, %arg3: memref<2x16x10112xf32, #tpu.memory_space<hbm>>, %arg4: memref<10112xf32, #tpu.memory_space<vmem>>, %arg5: memref<80x128xi32, #tpu.memory_space<vmem>>) attributes {dimension_semantics = [#tpu.dimension_semantics<core_parallel>, #tpu.dimension_semantics<subcore_parallel>], iteration_bounds = array<i64: 2, 16>, scalar_prefetch = 0 : i64, scratch_operands = 2 : i64, tpu.core_type = #tpu.core_type<sc_vector_subcore>, window_params = [{transform_indices = #map}, {transform_indices = #map1}]} {
    %mul3A = arith.constant 2 : i32
    %mul3A_0 = arith.muli %arg1, %mul3A : i32
    %add3A = arith.addi %mul3A_0, %arg0 : i32
    %scan3A = arith.constant 0 : i32
    %scan3A_1 = arith.constant 632 : i32
    %scan3A_2 = arith.addi %scan3A, %scan3A_1 : i32
    %scan3A_3 = arith.constant 1 : i32
    scf.for %scan3A_13 = %scan3A to %scan3A_2 step %scan3A_3  : i32 {
      %mul3A_14 = arith.constant 16 : i32
      %mul3A_15 = arith.muli %scan3A_13, %mul3A_14 : i32
      %add3A_16 = arith.constant 0 : i32
      %add3A_17 = arith.addi %add3A_16, %mul3A_15 : i32
      %broadcast_in_dim3A_18 = arith.constant 0.000000e+00 : f32
      %broadcast_in_dim3A_19 = vector.broadcast %broadcast_in_dim3A_18 : f32 to vector<16xf32>
      %swap3A = arith.index_cast %add3A_17 : i32 to index
      %swap3A_20 = tpu.vector_load %arg4[%swap3A] {strides = array<i32>} : memref<10112xf32, #tpu.memory_space<vmem>>, vector<16xf32>,
      tpu.vector_store %arg4[%swap3A], %broadcast_in_dim3A_19 {strides = array<i32>} : memref<10112xf32, #tpu.memory_space<vmem>>, vector<16xf32>,
    }
    %scan3A_4 = arith.constant 632 : i32
    %mul3A_5 = arith.constant 80 : i32
    %mul3A_6 = arith.muli %add3A, %mul3A_5 : i32
    "tpu.region"() ({
      %run_scoped3A = tpu.sem_alloc : memref<!tpu.dma_semaphore, #tpu.memory_space<semaphore_mem>>
      %dma_start3A = arith.constant 0 : i32
      %dma_start3A_13 = tpu.memref_slice %arg2[%mul3A_6, %dma_start3A] : memref<2560x128xi32, #tpu.memory_space<hbm>> -> memref<80x128xi32, #tpu.memory_space<hbm>>
      %dma_start3A_14 = arith.constant 0 : i32
      %dma_start3A_15 = tpu.memref_slice %arg2[%mul3A_6, %dma_start3A_14] : memref<2560x128xi32, #tpu.memory_space<hbm>> -> memref<80x128xi32, #tpu.memory_space<hbm>>
      tpu.enqueue_dma source(%dma_start3A_15 : memref<80x128xi32, #tpu.memory_space<hbm>>) target(%arg5 : memref<80x128xi32, #tpu.memory_space<vmem>>) target_semaphore(%run_scoped3A : memref<!tpu.dma_semaphore, #tpu.memory_space<semaphore_mem>>)
      %dma_wait3A = arith.constant 0 : i32
      %dma_wait3A_16 = tpu.memref_slice %arg2[%mul3A_6, %dma_wait3A] : memref<2560x128xi32, #tpu.memory_space<hbm>> -> memref<80x128xi32, #tpu.memory_space<hbm>>
      %dma_wait3A_17 = arith.constant 0 : i32
      %dma_wait3A_18 = tpu.memref_slice %arg2[%mul3A_6, %dma_wait3A_17] : memref<2560x128xi32, #tpu.memory_space<hbm>> -> memref<80x128xi32, #tpu.memory_space<hbm>>
      tpu.wait_dma2 semaphore(%run_scoped3A : memref<!tpu.dma_semaphore, #tpu.memory_space<semaphore_mem>>) src(%dma_wait3A_18 : memref<80x128xi32, #tpu.memory_space<hbm>>) dst(%arg5 : memref<80x128xi32, #tpu.memory_space<vmem>>)
      tpu.yield
    }) : () -> ()
    %broadcast_in_dim3A = arith.constant 1.000000e+00 : f32
    %broadcast_in_dim3A_7 = vector.broadcast %broadcast_in_dim3A : f32 to vector<16xf32>
    %scan3A_8 = arith.constant 0 : i32
    %scan3A_9 = arith.constant 80 : i32
    %scan3A_10 = arith.addi %scan3A_8, %scan3A_9 : i32
    %scan3A_11 = arith.constant 1 : i32
    scf.for %scan3A_13 = %scan3A_8 to %scan3A_10 step %scan3A_11  : i32 {
      %mul3A_14 = arith.constant 1 : i32
      %mul3A_15 = arith.muli %scan3A_13, %mul3A_14 : i32
      %add3A_16 = arith.constant 0 : i32
      %add3A_17 = arith.addi %add3A_16, %mul3A_15 : i32
      %scan3A_18 = arith.constant 0 : i32
      %scan3A_19 = arith.constant 8 : i32
      %scan3A_20 = arith.addi %scan3A_18, %scan3A_19 : i32
      %scan3A_21 = arith.constant 1 : i32
      scf.for %scan3A_23 = %scan3A_18 to %scan3A_20 step %scan3A_21  : i32 {
        %mul3A_24 = arith.constant 16 : i32
        %mul3A_25 = arith.muli %scan3A_23, %mul3A_24 : i32
        %add3A_26 = arith.constant 0 : i32
        %add3A_27 = arith.addi %add3A_26, %mul3A_25 : i32
        %get3A = arith.index_cast %add3A_17 : i32 to index
        %get3A_28 = arith.index_cast %add3A_27 : i32 to index
        %get3A_29 = tpu.vector_load %arg5[%get3A, %get3A_28] {strides = array<i32>} : memref<80x128xi32, #tpu.memory_space<vmem>>, vector<16xi32>,
        tpu.vector_store_idx %arg4[%get3A_29], %broadcast_in_dim3A_7 {add = true} : memref<10112xf32, #tpu.memory_space<vmem>>[vector<16xi32>], vector<16xf32>,
      }
      %scan3A_22 = arith.constant 8 : i32
    }
    %scan3A_12 = arith.constant 80 : i32
    "tpu.region"() ({
      %run_scoped3A = tpu.sem_alloc : memref<!tpu.dma_semaphore, #tpu.memory_space<semaphore_mem>>
      %dma_start3A = arith.constant 0 : i32
      %dma_start3A_13 = tpu.memref_slice %arg3[%arg0, %arg1, %dma_start3A] : memref<2x16x10112xf32, #tpu.memory_space<hbm>> -> memref<1x1x10112xf32, #tpu.memory_space<hbm>>
      %dma_start3A_14 = tpu.memref_squeeze %dma_start3A_13 : memref<1x1x10112xf32, #tpu.memory_space<hbm>> -> memref<10112xf32, #tpu.memory_space<hbm>>
      %dma_start3A_15 = arith.constant 0 : i32
      %dma_start3A_16 = tpu.memref_slice %arg3[%arg0, %arg1, %dma_start3A_15] : memref<2x16x10112xf32, #tpu.memory_space<hbm>> -> memref<1x1x10112xf32, #tpu.memory_space<hbm>>
      %dma_start3A_17 = tpu.memref_squeeze %dma_start3A_16 : memref<1x1x10112xf32, #tpu.memory_space<hbm>> -> memref<10112xf32, #tpu.memory_space<hbm>>
      tpu.enqueue_dma source(%arg4 : memref<10112xf32, #tpu.memory_space<vmem>>) target(%dma_start3A_17 : memref<10112xf32, #tpu.memory_space<hbm>>) target_semaphore(%run_scoped3A : memref<!tpu.dma_semaphore, #tpu.memory_space<semaphore_mem>>)
      %dma_wait3A = arith.constant 0 : i32
      %dma_wait3A_18 = tpu.memref_slice %arg3[%arg0, %arg1, %dma_wait3A] : memref<2x16x10112xf32, #tpu.memory_space<hbm>> -> memref<1x1x10112xf32, #tpu.memory_space<hbm>>
      %dma_wait3A_19 = tpu.memref_squeeze %dma_wait3A_18 : memref<1x1x10112xf32, #tpu.memory_space<hbm>> -> memref<10112xf32, #tpu.memory_space<hbm>>
      %dma_wait3A_20 = arith.constant 0 : i32
      %dma_wait3A_21 = tpu.memref_slice %arg3[%arg0, %arg1, %dma_wait3A_20] : memref<2x16x10112xf32, #tpu.memory_space<hbm>> -> memref<1x1x10112xf32, #tpu.memory_space<hbm>>
      %dma_wait3A_22 = tpu.memref_squeeze %dma_wait3A_21 : memref<1x1x10112xf32, #tpu.memory_space<hbm>> -> memref<10112xf32, #tpu.memory_space<hbm>>
      tpu.wait_dma2 semaphore(%run_scoped3A : memref<!tpu.dma_semaphore, #tpu.memory_space<semaphore_mem>>) src(%arg4 : memref<10112xf32, #tpu.memory_space<vmem>>) dst(%dma_wait3A_22 : memref<10112xf32, #tpu.memory_space<hbm>>)
      tpu.yield
    }) : () -> ()
    return
  }
}

#map = affine_map<(d0, d1) -> (0, 0)>
#map1 = affine_map<(d0, d1) -> (0, 0, 0)>
module attributes {stable_mosaic.version = 14 : i64} {
  func.func @_spmm_kernel(%arg0: i32, %arg1: i32, %arg2: memref<10112x128xf32, #tpu.memory_space<hbm>>, %arg3: memref<2560x128xi32, #tpu.memory_space<hbm>>, %arg4: memref<2560x128xi32, #tpu.memory_space<hbm>>, %arg5: memref<2x10112x128xf32, #tpu.memory_space<hbm>>, %arg6: memref<10112x128xf32, #tpu.memory_space<vmem_shared>>, %arg7: memref<40x128xi32, #tpu.memory_space<vmem>>, %arg8: memref<40x128xi32, #tpu.memory_space<vmem>>, %arg9: memref<128x128xf32, #tpu.memory_space<vmem>>, %arg10: memref<128x128xf32, #tpu.memory_space<vmem>>, %arg11: memref<!tpu.dma_semaphore, #tpu.memory_space<semaphore_mem>>, %arg12: memref<!tpu.dma_semaphore, #tpu.memory_space<semaphore_mem>>) attributes {dimension_semantics = [#tpu.dimension_semantics<core_parallel>, #tpu.dimension_semantics<subcore_parallel>], iteration_bounds = array<i64: 2, 16>, scalar_prefetch = 0 : i64, scratch_operands = 7 : i64, tpu.core_type = #tpu.core_type<sc_vector_subcore>, window_params = [{transform_indices = #map}, {transform_indices = #map}, {transform_indices = #map}, {transform_indices = #map1}]} {
    %mul3A = arith.constant 2 : i32
    %mul3A_0 = arith.muli %arg1, %mul3A : i32
    %add3A = arith.addi %mul3A_0, %arg0 : i32
    %scan3A = arith.constant 0 : i32
    %scan3A_1 = arith.constant 128 : i32
    %scan3A_2 = arith.addi %scan3A, %scan3A_1 : i32
    %scan3A_3 = arith.constant 1 : i32
    scf.for %scan3A_24 = %scan3A to %scan3A_2 step %scan3A_3  : i32 {
      %mul3A_25 = arith.constant 1 : i32
      %mul3A_26 = arith.muli %scan3A_24, %mul3A_25 : i32
      %add3A_27 = arith.constant 0 : i32
      %add3A_28 = arith.addi %add3A_27, %mul3A_26 : i32
      %scan3A_29 = arith.constant 0 : i32
      %scan3A_30 = arith.constant 8 : i32
      %scan3A_31 = arith.addi %scan3A_29, %scan3A_30 : i32
      %scan3A_32 = arith.constant 1 : i32
      scf.for %scan3A_34 = %scan3A_29 to %scan3A_31 step %scan3A_32  : i32 {
        %mul3A_35 = arith.constant 16 : i32
        %mul3A_36 = arith.muli %scan3A_34, %mul3A_35 : i32
        %add3A_37 = arith.constant 0 : i32
        %add3A_38 = arith.addi %add3A_37, %mul3A_36 : i32
        %broadcast_in_dim3A = arith.constant 0.000000e+00 : f32
        %broadcast_in_dim3A_39 = vector.broadcast %broadcast_in_dim3A : f32 to vector<16xf32>
        %swap3A = arith.index_cast %add3A_28 : i32 to index
        %swap3A_40 = arith.index_cast %add3A_38 : i32 to index
        %swap3A_41 = tpu.vector_load %arg9[%swap3A, %swap3A_40] {strides = array<i32>} : memref<128x128xf32, #tpu.memory_space<vmem>>, vector<1x16xf32>,
        %swap3A_42 = vector.shape_cast %swap3A_41 : vector<1x16xf32> to vector<16xf32>
        %swap3A_43 = vector.shape_cast %broadcast_in_dim3A_39 : vector<16xf32> to vector<1x16xf32>
        tpu.vector_store %arg9[%swap3A, %swap3A_40], %swap3A_43 {strides = array<i32>} : memref<128x128xf32, #tpu.memory_space<vmem>>, vector<1x16xf32>,
      }
      %scan3A_33 = arith.constant 8 : i32
    }
    %scan3A_4 = arith.constant 128 : i32
    %scan3A_5 = arith.constant 0 : i32
    %scan3A_6 = arith.constant 4 : i32
    %scan3A_7 = arith.addi %scan3A_5, %scan3A_6 : i32
    %scan3A_8 = arith.constant 1 : i32
    scf.for %scan3A_24 = %scan3A_5 to %scan3A_7 step %scan3A_8  : i32 {
      %mul3A_25 = arith.constant 1 : i32
      %mul3A_26 = arith.muli %scan3A_24, %mul3A_25 : i32
      %add3A_27 = arith.constant 0 : i32
      %add3A_28 = arith.addi %add3A_27, %mul3A_26 : i32
      %mul3A_29 = arith.constant 632 : i32
      %mul3A_30 = arith.muli %arg1, %mul3A_29 : i32
      %mul3A_31 = arith.constant 128 : i32
      %mul3A_32 = arith.muli %add3A_28, %mul3A_31 : i32
      %add3A_33 = arith.addi %mul3A_30, %mul3A_32 : i32
      "tpu.region"() ({
        %run_scoped3A = tpu.sem_alloc : memref<!tpu.dma_semaphore, #tpu.memory_space<semaphore_mem>>
        %dma_start3A = arith.constant 0 : i32
        %dma_start3A_34 = tpu.memref_slice %arg6[%add3A_33, %dma_start3A] : memref<10112x128xf32, #tpu.memory_space<vmem_shared>> -> memref<128x128xf32, #tpu.memory_space<vmem_shared>>
        %dma_start3A_35 = arith.constant 0 : i32
        %dma_start3A_36 = tpu.memref_slice %arg6[%add3A_33, %dma_start3A_35] : memref<10112x128xf32, #tpu.memory_space<vmem_shared>> -> memref<128x128xf32, #tpu.memory_space<vmem_shared>>
        tpu.enqueue_dma source(%arg9 : memref<128x128xf32, #tpu.memory_space<vmem>>) target(%dma_start3A_36 : memref<128x128xf32, #tpu.memory_space<vmem_shared>>) target_semaphore(%run_scoped3A : memref<!tpu.dma_semaphore, #tpu.memory_space<semaphore_mem>>)
        %dma_wait3A = arith.constant 0 : i32
        %dma_wait3A_37 = tpu.memref_slice %arg6[%add3A_33, %dma_wait3A] : memref<10112x128xf32, #tpu.memory_space<vmem_shared>> -> memref<128x128xf32, #tpu.memory_space<vmem_shared>>
        %dma_wait3A_38 = arith.constant 0 : i32
        %dma_wait3A_39 = tpu.memref_slice %arg6[%add3A_33, %dma_wait3A_38] : memref<10112x128xf32, #tpu.memory_space<vmem_shared>> -> memref<128x128xf32, #tpu.memory_space<vmem_shared>>
        tpu.wait_dma2 semaphore(%run_scoped3A : memref<!tpu.dma_semaphore, #tpu.memory_space<semaphore_mem>>) src(%arg9 : memref<128x128xf32, #tpu.memory_space<vmem>>) dst(%dma_wait3A_39 : memref<128x128xf32, #tpu.memory_space<vmem_shared>>)
        tpu.yield
      }) : () -> ()
    }
    %scan3A_9 = arith.constant 4 : i32
    %mul3A_10 = arith.constant 632 : i32
    %mul3A_11 = arith.muli %arg1, %mul3A_10 : i32
    %add3A_12 = arith.constant 512 : i32
    %add3A_13 = arith.addi %mul3A_11, %add3A_12 : i32
    "tpu.region"() ({
      %run_scoped3A = tpu.sem_alloc : memref<!tpu.dma_semaphore, #tpu.memory_space<semaphore_mem>>
      %dma_start3A = arith.constant 0 : i32
      %dma_start3A_24 = arith.constant 0 : i32
      %dma_start3A_25 = tpu.memref_slice %arg9[%dma_start3A, %dma_start3A_24] : memref<128x128xf32, #tpu.memory_space<vmem>> -> memref<120x128xf32, #tpu.memory_space<vmem>>
      %dma_start3A_26 = arith.constant 0 : i32
      %dma_start3A_27 = tpu.memref_slice %arg6[%add3A_13, %dma_start3A_26] : memref<10112x128xf32, #tpu.memory_space<vmem_shared>> -> memref<120x128xf32, #tpu.memory_space<vmem_shared>>
      %dma_start3A_28 = arith.constant 0 : i32
      %dma_start3A_29 = tpu.memref_slice %arg6[%add3A_13, %dma_start3A_28] : memref<10112x128xf32, #tpu.memory_space<vmem_shared>> -> memref<120x128xf32, #tpu.memory_space<vmem_shared>>
      %dma_start3A_30 = arith.constant 0 : i32
      %dma_start3A_31 = arith.constant 0 : i32
      %dma_start3A_32 = tpu.memref_slice %arg9[%dma_start3A_30, %dma_start3A_31] : memref<128x128xf32, #tpu.memory_space<vmem>> -> memref<120x128xf32, #tpu.memory_space<vmem>>
      tpu.enqueue_dma source(%dma_start3A_32 : memref<120x128xf32, #tpu.memory_space<vmem>>) target(%dma_start3A_29 : memref<120x128xf32, #tpu.memory_space<vmem_shared>>) target_semaphore(%run_scoped3A : memref<!tpu.dma_semaphore, #tpu.memory_space<semaphore_mem>>)
      %dma_wait3A = arith.constant 0 : i32
      %dma_wait3A_33 = arith.constant 0 : i32
      %dma_wait3A_34 = tpu.memref_slice %arg9[%dma_wait3A, %dma_wait3A_33] : memref<128x128xf32, #tpu.memory_space<vmem>> -> memref<120x128xf32, #tpu.memory_space<vmem>>
      %dma_wait3A_35 = arith.constant 0 : i32
      %dma_wait3A_36 = tpu.memref_slice %arg6[%add3A_13, %dma_wait3A_35] : memref<10112x128xf32, #tpu.memory_space<vmem_shared>> -> memref<120x128xf32, #tpu.memory_space<vmem_shared>>
      %dma_wait3A_37 = arith.constant 0 : i32
      %dma_wait3A_38 = tpu.memref_slice %arg6[%add3A_13, %dma_wait3A_37] : memref<10112x128xf32, #tpu.memory_space<vmem_shared>> -> memref<120x128xf32, #tpu.memory_space<vmem_shared>>
      %dma_wait3A_39 = arith.constant 0 : i32
      %dma_wait3A_40 = arith.constant 0 : i32
      %dma_wait3A_41 = tpu.memref_slice %arg9[%dma_wait3A_39, %dma_wait3A_40] : memref<128x128xf32, #tpu.memory_space<vmem>> -> memref<120x128xf32, #tpu.memory_space<vmem>>
      tpu.wait_dma2 semaphore(%run_scoped3A : memref<!tpu.dma_semaphore, #tpu.memory_space<semaphore_mem>>) src(%dma_wait3A_41 : memref<120x128xf32, #tpu.memory_space<vmem>>) dst(%dma_wait3A_38 : memref<120x128xf32, #tpu.memory_space<vmem_shared>>)
      tpu.yield
    }) : () -> ()
    %barrier3A = arith.constant 0 : index
    tpu.barrier barrier_id(%barrier3A)
    %scan3A_14 = arith.constant 0 : i32
    %scan3A_15 = arith.constant 2 : i32
    %scan3A_16 = arith.addi %scan3A_14, %scan3A_15 : i32
    %scan3A_17 = arith.constant 1 : i32
    scf.for %scan3A_24 = %scan3A_14 to %scan3A_16 step %scan3A_17  : i32 {
      %mul3A_25 = arith.constant 1 : i32
      %mul3A_26 = arith.muli %scan3A_24, %mul3A_25 : i32
      %add3A_27 = arith.constant 0 : i32
      %add3A_28 = arith.addi %add3A_27, %mul3A_26 : i32
      %mul3A_29 = arith.constant 80 : i32
      %mul3A_30 = arith.muli %add3A, %mul3A_29 : i32
      %mul3A_31 = arith.constant 40 : i32
      %mul3A_32 = arith.muli %add3A_28, %mul3A_31 : i32
      %add3A_33 = arith.addi %mul3A_30, %mul3A_32 : i32
      "tpu.region"() ({
        %run_scoped3A = tpu.sem_alloc : memref<!tpu.dma_semaphore, #tpu.memory_space<semaphore_mem>>
        %dma_start3A_45 = arith.constant 0 : i32
        %dma_start3A_46 = tpu.memref_slice %arg3[%add3A_33, %dma_start3A_45] : memref<2560x128xi32, #tpu.memory_space<hbm>> -> memref<40x128xi32, #tpu.memory_space<hbm>>
        %dma_start3A_47 = arith.constant 0 : i32
        %dma_start3A_48 = tpu.memref_slice %arg3[%add3A_33, %dma_start3A_47] : memref<2560x128xi32, #tpu.memory_space<hbm>> -> memref<40x128xi32, #tpu.memory_space<hbm>>
        tpu.enqueue_dma source(%dma_start3A_48 : memref<40x128xi32, #tpu.memory_space<hbm>>) target(%arg7 : memref<40x128xi32, #tpu.memory_space<vmem>>) target_semaphore(%run_scoped3A : memref<!tpu.dma_semaphore, #tpu.memory_space<semaphore_mem>>)
        %dma_wait3A = arith.constant 0 : i32
        %dma_wait3A_49 = tpu.memref_slice %arg3[%add3A_33, %dma_wait3A] : memref<2560x128xi32, #tpu.memory_space<hbm>> -> memref<40x128xi32, #tpu.memory_space<hbm>>
        %dma_wait3A_50 = arith.constant 0 : i32
        %dma_wait3A_51 = tpu.memref_slice %arg3[%add3A_33, %dma_wait3A_50] : memref<2560x128xi32, #tpu.memory_space<hbm>> -> memref<40x128xi32, #tpu.memory_space<hbm>>
        tpu.wait_dma2 semaphore(%run_scoped3A : memref<!tpu.dma_semaphore, #tpu.memory_space<semaphore_mem>>) src(%dma_wait3A_51 : memref<40x128xi32, #tpu.memory_space<hbm>>) dst(%arg7 : memref<40x128xi32, #tpu.memory_space<vmem>>)
        tpu.yield
      }) : () -> ()
      "tpu.region"() ({
        %run_scoped3A = tpu.sem_alloc : memref<!tpu.dma_semaphore, #tpu.memory_space<semaphore_mem>>
        %dma_start3A_45 = arith.constant 0 : i32
        %dma_start3A_46 = tpu.memref_slice %arg4[%add3A_33, %dma_start3A_45] : memref<2560x128xi32, #tpu.memory_space<hbm>> -> memref<40x128xi32, #tpu.memory_space<hbm>>
        %dma_start3A_47 = arith.constant 0 : i32
        %dma_start3A_48 = tpu.memref_slice %arg4[%add3A_33, %dma_start3A_47] : memref<2560x128xi32, #tpu.memory_space<hbm>> -> memref<40x128xi32, #tpu.memory_space<hbm>>
        tpu.enqueue_dma source(%dma_start3A_48 : memref<40x128xi32, #tpu.memory_space<hbm>>) target(%arg8 : memref<40x128xi32, #tpu.memory_space<vmem>>) target_semaphore(%run_scoped3A : memref<!tpu.dma_semaphore, #tpu.memory_space<semaphore_mem>>)
        %dma_wait3A = arith.constant 0 : i32
        %dma_wait3A_49 = tpu.memref_slice %arg4[%add3A_33, %dma_wait3A] : memref<2560x128xi32, #tpu.memory_space<hbm>> -> memref<40x128xi32, #tpu.memory_space<hbm>>
        %dma_wait3A_50 = arith.constant 0 : i32
        %dma_wait3A_51 = tpu.memref_slice %arg4[%add3A_33, %dma_wait3A_50] : memref<2560x128xi32, #tpu.memory_space<hbm>> -> memref<40x128xi32, #tpu.memory_space<hbm>>
        tpu.wait_dma2 semaphore(%run_scoped3A : memref<!tpu.dma_semaphore, #tpu.memory_space<semaphore_mem>>) src(%dma_wait3A_51 : memref<40x128xi32, #tpu.memory_space<hbm>>) dst(%arg8 : memref<40x128xi32, #tpu.memory_space<vmem>>)
        tpu.yield
      }) : () -> ()
      %dma_start3A = arith.constant 0 : i32
      %dma_start3A_34 = arith.constant 0 : i32
      %dma_start3A_35 = tpu.memref_slice %arg7[%dma_start3A, %dma_start3A_34] : memref<40x128xi32, #tpu.memory_space<vmem>> -> memref<1x128xi32, #tpu.memory_space<vmem>>
      %dma_start3A_36 = tpu.memref_squeeze %dma_start3A_35 : memref<1x128xi32, #tpu.memory_space<vmem>> -> memref<128xi32, #tpu.memory_space<vmem>>
      %dma_start3A_37 = arith.constant 0 : i32
      %dma_start3A_38 = arith.constant 0 : i32
      %dma_start3A_39 = tpu.memref_slice %arg2[%dma_start3A_37, %dma_start3A_38] : memref<10112x128xf32, #tpu.memory_space<hbm>> -> memref<10112x128xf32, #tpu.memory_space<hbm>>
      tpu.enqueue_indirect_dma source(%dma_start3A_39 : memref<10112x128xf32, #tpu.memory_space<hbm>>) target(%arg9 : memref<128x128xf32, #tpu.memory_space<vmem>>) offsets(%dma_start3A_36 : memref<128xi32, #tpu.memory_space<vmem>>) semaphore(%arg11 : memref<!tpu.dma_semaphore, #tpu.memory_space<semaphore_mem>>)
      %scan3A_40 = arith.constant 0 : i32
      %scan3A_41 = arith.constant 20 : i32
      %scan3A_42 = arith.addi %scan3A_40, %scan3A_41 : i32
      %scan3A_43 = arith.constant 1 : i32
      scf.for %scan3A_45 = %scan3A_40 to %scan3A_42 step %scan3A_43  : i32 {
        %mul3A_46 = arith.constant 2 : i32
        %mul3A_47 = arith.muli %scan3A_45, %mul3A_46 : i32
        %add3A_48 = arith.constant 0 : i32
        %add3A_49 = arith.addi %add3A_48, %mul3A_47 : i32
        %dma_wait3A = arith.constant 0 : i32
        %dma_wait3A_50 = tpu.memref_slice %arg7[%add3A_49, %dma_wait3A] : memref<40x128xi32, #tpu.memory_space<vmem>> -> memref<1x128xi32, #tpu.memory_space<vmem>>
        %dma_wait3A_51 = tpu.memref_squeeze %dma_wait3A_50 : memref<1x128xi32, #tpu.memory_space<vmem>> -> memref<128xi32, #tpu.memory_space<vmem>>
        %dma_wait3A_52 = arith.constant 0 : i32
        %dma_wait3A_53 = arith.constant 0 : i32
        %dma_wait3A_54 = tpu.memref_slice %arg2[%dma_wait3A_52, %dma_wait3A_53] : memref<10112x128xf32, #tpu.memory_space<hbm>> -> memref<10112x128xf32, #tpu.memory_space<hbm>>
        tpu.wait_indirect_dma semaphore(%arg11 : memref<!tpu.dma_semaphore, #tpu.memory_space<semaphore_mem>>) src(%dma_wait3A_54 : memref<10112x128xf32, #tpu.memory_space<hbm>>) dst(%arg9 : memref<128x128xf32, #tpu.memory_space<vmem>>)
        %add3A_55 = arith.constant 1 : i32
        %add3A_56 = arith.addi %add3A_49, %add3A_55 : i32
        %dma_start3A_57 = arith.constant 0 : i32
        %dma_start3A_58 = tpu.memref_slice %arg7[%add3A_56, %dma_start3A_57] : memref<40x128xi32, #tpu.memory_space<vmem>> -> memref<1x128xi32, #tpu.memory_space<vmem>>
        %dma_start3A_59 = tpu.memref_squeeze %dma_start3A_58 : memref<1x128xi32, #tpu.memory_space<vmem>> -> memref<128xi32, #tpu.memory_space<vmem>>
        %dma_start3A_60 = arith.constant 0 : i32
        %dma_start3A_61 = arith.constant 0 : i32
        %dma_start3A_62 = tpu.memref_slice %arg2[%dma_start3A_60, %dma_start3A_61] : memref<10112x128xf32, #tpu.memory_space<hbm>> -> memref<10112x128xf32, #tpu.memory_space<hbm>>
        tpu.enqueue_indirect_dma source(%dma_start3A_62 : memref<10112x128xf32, #tpu.memory_space<hbm>>) target(%arg10 : memref<128x128xf32, #tpu.memory_space<vmem>>) offsets(%dma_start3A_59 : memref<128xi32, #tpu.memory_space<vmem>>) semaphore(%arg12 : memref<!tpu.dma_semaphore, #tpu.memory_space<semaphore_mem>>)
        "tpu.region"() ({
          %run_scoped3A = tpu.sem_alloc : memref<!tpu.dma_semaphore, #tpu.memory_space<semaphore_mem>>
          %dma_start3A_77 = arith.constant 0 : i32
          %dma_start3A_78 = tpu.memref_slice %arg8[%add3A_49, %dma_start3A_77] : memref<40x128xi32, #tpu.memory_space<vmem>> -> memref<1x128xi32, #tpu.memory_space<vmem>>
          %dma_start3A_79 = tpu.memref_squeeze %dma_start3A_78 : memref<1x128xi32, #tpu.memory_space<vmem>> -> memref<128xi32, #tpu.memory_space<vmem>>
          %dma_start3A_80 = arith.constant 0 : i32
          %dma_start3A_81 = arith.constant 0 : i32
          %dma_start3A_82 = tpu.memref_slice %arg6[%dma_start3A_80, %dma_start3A_81] : memref<10112x128xf32, #tpu.memory_space<vmem_shared>> -> memref<10112x128xf32, #tpu.memory_space<vmem_shared>>
          tpu.enqueue_indirect_dma source(%arg9 : memref<128x128xf32, #tpu.memory_space<vmem>>) target(%dma_start3A_82 : memref<10112x128xf32, #tpu.memory_space<vmem_shared>>) offsets(%dma_start3A_79 : memref<128xi32, #tpu.memory_space<vmem>>) semaphore(%run_scoped3A : memref<!tpu.dma_semaphore, #tpu.memory_space<semaphore_mem>>) {add = true}
          %dma_wait3A_83 = arith.constant 0 : i32
          %dma_wait3A_84 = tpu.memref_slice %arg8[%add3A_49, %dma_wait3A_83] : memref<40x128xi32, #tpu.memory_space<vmem>> -> memref<1x128xi32, #tpu.memory_space<vmem>>
          %dma_wait3A_85 = tpu.memref_squeeze %dma_wait3A_84 : memref<1x128xi32, #tpu.memory_space<vmem>> -> memref<128xi32, #tpu.memory_space<vmem>>
          %dma_wait3A_86 = arith.constant 0 : i32
          %dma_wait3A_87 = arith.constant 0 : i32
          %dma_wait3A_88 = tpu.memref_slice %arg6[%dma_wait3A_86, %dma_wait3A_87] : memref<10112x128xf32, #tpu.memory_space<vmem_shared>> -> memref<10112x128xf32, #tpu.memory_space<vmem_shared>>
          tpu.wait_indirect_dma semaphore(%run_scoped3A : memref<!tpu.dma_semaphore, #tpu.memory_space<semaphore_mem>>) src(%arg9 : memref<128x128xf32, #tpu.memory_space<vmem>>) dst(%dma_wait3A_88 : memref<10112x128xf32, #tpu.memory_space<vmem_shared>>)
          tpu.yield
        }) : () -> ()
        %add3A_63 = arith.constant 1 : i32
        %add3A_64 = arith.addi %add3A_49, %add3A_63 : i32
        %dma_wait3A_65 = arith.constant 0 : i32
        %dma_wait3A_66 = tpu.memref_slice %arg7[%add3A_64, %dma_wait3A_65] : memref<40x128xi32, #tpu.memory_space<vmem>> -> memref<1x128xi32, #tpu.memory_space<vmem>>
        %dma_wait3A_67 = tpu.memref_squeeze %dma_wait3A_66 : memref<1x128xi32, #tpu.memory_space<vmem>> -> memref<128xi32, #tpu.memory_space<vmem>>
        %dma_wait3A_68 = arith.constant 0 : i32
        %dma_wait3A_69 = arith.constant 0 : i32
        %dma_wait3A_70 = tpu.memref_slice %arg2[%dma_wait3A_68, %dma_wait3A_69] : memref<10112x128xf32, #tpu.memory_space<hbm>> -> memref<10112x128xf32, #tpu.memory_space<hbm>>
        tpu.wait_indirect_dma semaphore(%arg12 : memref<!tpu.dma_semaphore, #tpu.memory_space<semaphore_mem>>) src(%dma_wait3A_70 : memref<10112x128xf32, #tpu.memory_space<hbm>>) dst(%arg10 : memref<128x128xf32, #tpu.memory_space<vmem>>)
        %add3A_71 = arith.constant 2 : i32
        %add3A_72 = arith.addi %add3A_49, %add3A_71 : i32
        %lt3A = arith.constant 40 : i32
        %lt3A_73 = arith.cmpi slt, %add3A_72, %lt3A : i32
        %convert_element_type3A = arith.extui %lt3A_73 : i1 to i32
        %cond3A = arith.constant 0 : i32
        %cond3A_74 = arith.cmpi ne, %convert_element_type3A, %cond3A : i32
        scf.if %cond3A_74 {
          %add3A_77 = arith.constant 2 : i32
          %add3A_78 = arith.addi %add3A_49, %add3A_77 : i32
          %dma_start3A_79 = arith.constant 0 : i32
          %dma_start3A_80 = tpu.memref_slice %arg7[%add3A_78, %dma_start3A_79] : memref<40x128xi32, #tpu.memory_space<vmem>> -> memref<1x128xi32, #tpu.memory_space<vmem>>
          %dma_start3A_81 = tpu.memref_squeeze %dma_start3A_80 : memref<1x128xi32, #tpu.memory_space<vmem>> -> memref<128xi32, #tpu.memory_space<vmem>>
          %dma_start3A_82 = arith.constant 0 : i32
          %dma_start3A_83 = arith.constant 0 : i32
          %dma_start3A_84 = tpu.memref_slice %arg2[%dma_start3A_82, %dma_start3A_83] : memref<10112x128xf32, #tpu.memory_space<hbm>> -> memref<10112x128xf32, #tpu.memory_space<hbm>>
          tpu.enqueue_indirect_dma source(%dma_start3A_84 : memref<10112x128xf32, #tpu.memory_space<hbm>>) target(%arg9 : memref<128x128xf32, #tpu.memory_space<vmem>>) offsets(%dma_start3A_81 : memref<128xi32, #tpu.memory_space<vmem>>) semaphore(%arg11 : memref<!tpu.dma_semaphore, #tpu.memory_space<semaphore_mem>>)
        } else {
        }
        %add3A_75 = arith.constant 1 : i32
        %add3A_76 = arith.addi %add3A_49, %add3A_75 : i32
        "tpu.region"() ({
          %run_scoped3A = tpu.sem_alloc : memref<!tpu.dma_semaphore, #tpu.memory_space<semaphore_mem>>
          %dma_start3A_77 = arith.constant 0 : i32
          %dma_start3A_78 = tpu.memref_slice %arg8[%add3A_76, %dma_start3A_77] : memref<40x128xi32, #tpu.memory_space<vmem>> -> memref<1x128xi32, #tpu.memory_space<vmem>>
          %dma_start3A_79 = tpu.memref_squeeze %dma_start3A_78 : memref<1x128xi32, #tpu.memory_space<vmem>> -> memref<128xi32, #tpu.memory_space<vmem>>
          %dma_start3A_80 = arith.constant 0 : i32
          %dma_start3A_81 = arith.constant 0 : i32
          %dma_start3A_82 = tpu.memref_slice %arg6[%dma_start3A_80, %dma_start3A_81] : memref<10112x128xf32, #tpu.memory_space<vmem_shared>> -> memref<10112x128xf32, #tpu.memory_space<vmem_shared>>
          tpu.enqueue_indirect_dma source(%arg10 : memref<128x128xf32, #tpu.memory_space<vmem>>) target(%dma_start3A_82 : memref<10112x128xf32, #tpu.memory_space<vmem_shared>>) offsets(%dma_start3A_79 : memref<128xi32, #tpu.memory_space<vmem>>) semaphore(%run_scoped3A : memref<!tpu.dma_semaphore, #tpu.memory_space<semaphore_mem>>) {add = true}
          %dma_wait3A_83 = arith.constant 0 : i32
          %dma_wait3A_84 = tpu.memref_slice %arg8[%add3A_76, %dma_wait3A_83] : memref<40x128xi32, #tpu.memory_space<vmem>> -> memref<1x128xi32, #tpu.memory_space<vmem>>
          %dma_wait3A_85 = tpu.memref_squeeze %dma_wait3A_84 : memref<1x128xi32, #tpu.memory_space<vmem>> -> memref<128xi32, #tpu.memory_space<vmem>>
          %dma_wait3A_86 = arith.constant 0 : i32
          %dma_wait3A_87 = arith.constant 0 : i32
          %dma_wait3A_88 = tpu.memref_slice %arg6[%dma_wait3A_86, %dma_wait3A_87] : memref<10112x128xf32, #tpu.memory_space<vmem_shared>> -> memref<10112x128xf32, #tpu.memory_space<vmem_shared>>
          tpu.wait_indirect_dma semaphore(%run_scoped3A : memref<!tpu.dma_semaphore, #tpu.memory_space<semaphore_mem>>) src(%arg10 : memref<128x128xf32, #tpu.memory_space<vmem>>) dst(%dma_wait3A_88 : memref<10112x128xf32, #tpu.memory_space<vmem_shared>>)
          tpu.yield
        }) : () -> ()
      }
      %scan3A_44 = arith.constant 20 : i32
    }
    %scan3A_18 = arith.constant 2 : i32
    %barrier3A_19 = arith.constant 0 : index
    tpu.barrier barrier_id(%barrier3A_19)
    %mul3A_20 = arith.constant 632 : i32
    %mul3A_21 = arith.muli %arg1, %mul3A_20 : i32
    %mul3A_22 = arith.constant 632 : i32
    %mul3A_23 = arith.muli %arg1, %mul3A_22 : i32
    "tpu.region"() ({
      %run_scoped3A = tpu.sem_alloc : memref<!tpu.dma_semaphore, #tpu.memory_space<semaphore_mem>>
      %dma_start3A = arith.constant 0 : i32
      %dma_start3A_24 = tpu.memref_slice %arg5[%arg0, %mul3A_23, %dma_start3A] : memref<2x10112x128xf32, #tpu.memory_space<hbm>> -> memref<1x632x128xf32, #tpu.memory_space<hbm>>
      %dma_start3A_25 = tpu.memref_squeeze %dma_start3A_24 : memref<1x632x128xf32, #tpu.memory_space<hbm>> -> memref<632x128xf32, #tpu.memory_space<hbm>>
      %dma_start3A_26 = arith.constant 0 : i32
      %dma_start3A_27 = tpu.memref_slice %arg6[%mul3A_21, %dma_start3A_26] : memref<10112x128xf32, #tpu.memory_space<vmem_shared>> -> memref<632x128xf32, #tpu.memory_space<vmem_shared>>
      tpu.enqueue_dma source(%dma_start3A_27 : memref<632x128xf32, #tpu.memory_space<vmem_shared>>) target(%dma_start3A_25 : memref<632x128xf32, #tpu.memory_space<hbm>>) target_semaphore(%run_scoped3A : memref<!tpu.dma_semaphore, #tpu.memory_space<semaphore_mem>>)
      %dma_wait3A = arith.constant 0 : i32
      %dma_wait3A_28 = tpu.memref_slice %arg5[%arg0, %mul3A_23, %dma_wait3A] : memref<2x10112x128xf32, #tpu.memory_space<hbm>> -> memref<1x632x128xf32, #tpu.memory_space<hbm>>
      %dma_wait3A_29 = tpu.memref_squeeze %dma_wait3A_28 : memref<1x632x128xf32, #tpu.memory_space<hbm>> -> memref<632x128xf32, #tpu.memory_space<hbm>>
      %dma_wait3A_30 = arith.constant 0 : i32
      %dma_wait3A_31 = tpu.memref_slice %arg6[%mul3A_21, %dma_wait3A_30] : memref<10112x128xf32, #tpu.memory_space<vmem_shared>> -> memref<632x128xf32, #tpu.memory_space<vmem_shared>>
      tpu.wait_dma2 semaphore(%run_scoped3A : memref<!tpu.dma_semaphore, #tpu.memory_space<semaphore_mem>>) src(%dma_wait3A_31 : memref<632x128xf32, #tpu.memory_space<vmem_shared>>) dst(%dma_wait3A_29 : memref<632x128xf32, #tpu.memory_space<hbm>>)
      tpu.yield
    }) : () -> ()
    return
  }
}

#map = affine_map<(d0, d1) -> (0, 0)>
#map1 = affine_map<(d0, d1) -> (0, 0, 0)>
module attributes {stable_mosaic.version = 14 : i64} {
  func.func @_spmm_kernel(%arg0: i32, %arg1: i32, %arg2: memref<10112x128xf32, #tpu.memory_space<hbm>>, %arg3: memref<2560x128xi32, #tpu.memory_space<hbm>>, %arg4: memref<2560x128xi32, #tpu.memory_space<hbm>>, %arg5: memref<2x10112x128xf32, #tpu.memory_space<hbm>>, %arg6: memref<10112x128xf32, #tpu.memory_space<vmem_shared>>, %arg7: memref<40x128xi32, #tpu.memory_space<vmem>>, %arg8: memref<40x128xi32, #tpu.memory_space<vmem>>, %arg9: memref<128x128xf32, #tpu.memory_space<vmem>>, %arg10: memref<128x128xf32, #tpu.memory_space<vmem>>, %arg11: memref<!tpu.dma_semaphore, #tpu.memory_space<semaphore_mem>>, %arg12: memref<!tpu.dma_semaphore, #tpu.memory_space<semaphore_mem>>) attributes {dimension_semantics = [#tpu.dimension_semantics<core_parallel>, #tpu.dimension_semantics<subcore_parallel>], iteration_bounds = array<i64: 2, 16>, scalar_prefetch = 0 : i64, scratch_operands = 7 : i64, tpu.core_type = #tpu.core_type<sc_vector_subcore>, window_params = [{transform_indices = #map}, {transform_indices = #map}, {transform_indices = #map}, {transform_indices = #map1}]} {
    %mul3A = arith.constant 2 : i32
    %mul3A_0 = arith.muli %arg1, %mul3A : i32
    %add3A = arith.addi %mul3A_0, %arg0 : i32
    %scan3A = arith.constant 0 : i32
    %scan3A_1 = arith.constant 128 : i32
    %scan3A_2 = arith.addi %scan3A, %scan3A_1 : i32
    %scan3A_3 = arith.constant 1 : i32
    scf.for %scan3A_24 = %scan3A to %scan3A_2 step %scan3A_3  : i32 {
      %mul3A_25 = arith.constant 1 : i32
      %mul3A_26 = arith.muli %scan3A_24, %mul3A_25 : i32
      %add3A_27 = arith.constant 0 : i32
      %add3A_28 = arith.addi %add3A_27, %mul3A_26 : i32
      %scan3A_29 = arith.constant 0 : i32
      %scan3A_30 = arith.constant 8 : i32
      %scan3A_31 = arith.addi %scan3A_29, %scan3A_30 : i32
      %scan3A_32 = arith.constant 1 : i32
      scf.for %scan3A_34 = %scan3A_29 to %scan3A_31 step %scan3A_32  : i32 {
        %mul3A_35 = arith.constant 16 : i32
        %mul3A_36 = arith.muli %scan3A_34, %mul3A_35 : i32
        %add3A_37 = arith.constant 0 : i32
        %add3A_38 = arith.addi %add3A_37, %mul3A_36 : i32
        %broadcast_in_dim3A = arith.constant 0.000000e+00 : f32
        %broadcast_in_dim3A_39 = vector.broadcast %broadcast_in_dim3A : f32 to vector<16xf32>
        %swap3A = arith.index_cast %add3A_28 : i32 to index
        %swap3A_40 = arith.index_cast %add3A_38 : i32 to index
        %swap3A_41 = tpu.vector_load %arg9[%swap3A, %swap3A_40] {strides = array<i32>} : memref<128x128xf32, #tpu.memory_space<vmem>>, vector<1x16xf32>,
        %swap3A_42 = vector.shape_cast %swap3A_41 : vector<1x16xf32> to vector<16xf32>
        %swap3A_43 = vector.shape_cast %broadcast_in_dim3A_39 : vector<16xf32> to vector<1x16xf32>
        tpu.vector_store %arg9[%swap3A, %swap3A_40], %swap3A_43 {strides = array<i32>} : memref<128x128xf32, #tpu.memory_space<vmem>>, vector<1x16xf32>,
      }
      %scan3A_33 = arith.constant 8 : i32
    }
    %scan3A_4 = arith.constant 128 : i32
    %scan3A_5 = arith.constant 0 : i32
    %scan3A_6 = arith.constant 4 : i32
    %scan3A_7 = arith.addi %scan3A_5, %scan3A_6 : i32
    %scan3A_8 = arith.constant 1 : i32
    scf.for %scan3A_24 = %scan3A_5 to %scan3A_7 step %scan3A_8  : i32 {
      %mul3A_25 = arith.constant 1 : i32
      %mul3A_26 = arith.muli %scan3A_24, %mul3A_25 : i32
      %add3A_27 = arith.constant 0 : i32
      %add3A_28 = arith.addi %add3A_27, %mul3A_26 : i32
      %mul3A_29 = arith.constant 632 : i32
      %mul3A_30 = arith.muli %arg1, %mul3A_29 : i32
      %mul3A_31 = arith.constant 128 : i32
      %mul3A_32 = arith.muli %add3A_28, %mul3A_31 : i32
      %add3A_33 = arith.addi %mul3A_30, %mul3A_32 : i32
      "tpu.region"() ({
        %run_scoped3A = tpu.sem_alloc : memref<!tpu.dma_semaphore, #tpu.memory_space<semaphore_mem>>
        %dma_start3A = arith.constant 0 : i32
        %dma_start3A_34 = tpu.memref_slice %arg6[%add3A_33, %dma_start3A] : memref<10112x128xf32, #tpu.memory_space<vmem_shared>> -> memref<128x128xf32, #tpu.memory_space<vmem_shared>>
        %dma_start3A_35 = arith.constant 0 : i32
        %dma_start3A_36 = tpu.memref_slice %arg6[%add3A_33, %dma_start3A_35] : memref<10112x128xf32, #tpu.memory_space<vmem_shared>> -> memref<128x128xf32, #tpu.memory_space<vmem_shared>>
        tpu.enqueue_dma source(%arg9 : memref<128x128xf32, #tpu.memory_space<vmem>>) target(%dma_start3A_36 : memref<128x128xf32, #tpu.memory_space<vmem_shared>>) target_semaphore(%run_scoped3A : memref<!tpu.dma_semaphore, #tpu.memory_space<semaphore_mem>>)
        %dma_wait3A = arith.constant 0 : i32
        %dma_wait3A_37 = tpu.memref_slice %arg6[%add3A_33, %dma_wait3A] : memref<10112x128xf32, #tpu.memory_space<vmem_shared>> -> memref<128x128xf32, #tpu.memory_space<vmem_shared>>
        %dma_wait3A_38 = arith.constant 0 : i32
        %dma_wait3A_39 = tpu.memref_slice %arg6[%add3A_33, %dma_wait3A_38] : memref<10112x128xf32, #tpu.memory_space<vmem_shared>> -> memref<128x128xf32, #tpu.memory_space<vmem_shared>>
        tpu.wait_dma2 semaphore(%run_scoped3A : memref<!tpu.dma_semaphore, #tpu.memory_space<semaphore_mem>>) src(%arg9 : memref<128x128xf32, #tpu.memory_space<vmem>>) dst(%dma_wait3A_39 : memref<128x128xf32, #tpu.memory_space<vmem_shared>>)
        tpu.yield
      }) : () -> ()
    }
    %scan3A_9 = arith.constant 4 : i32
    %mul3A_10 = arith.constant 632 : i32
    %mul3A_11 = arith.muli %arg1, %mul3A_10 : i32
    %add3A_12 = arith.constant 512 : i32
    %add3A_13 = arith.addi %mul3A_11, %add3A_12 : i32
    "tpu.region"() ({
      %run_scoped3A = tpu.sem_alloc : memref<!tpu.dma_semaphore, #tpu.memory_space<semaphore_mem>>
      %dma_start3A = arith.constant 0 : i32
      %dma_start3A_24 = arith.constant 0 : i32
      %dma_start3A_25 = tpu.memref_slice %arg9[%dma_start3A, %dma_start3A_24] : memref<128x128xf32, #tpu.memory_space<vmem>> -> memref<120x128xf32, #tpu.memory_space<vmem>>
      %dma_start3A_26 = arith.constant 0 : i32
      %dma_start3A_27 = tpu.memref_slice %arg6[%add3A_13, %dma_start3A_26] : memref<10112x128xf32, #tpu.memory_space<vmem_shared>> -> memref<120x128xf32, #tpu.memory_space<vmem_shared>>
      %dma_start3A_28 = arith.constant 0 : i32
      %dma_start3A_29 = tpu.memref_slice %arg6[%add3A_13, %dma_start3A_28] : memref<10112x128xf32, #tpu.memory_space<vmem_shared>> -> memref<120x128xf32, #tpu.memory_space<vmem_shared>>
      %dma_start3A_30 = arith.constant 0 : i32
      %dma_start3A_31 = arith.constant 0 : i32
      %dma_start3A_32 = tpu.memref_slice %arg9[%dma_start3A_30, %dma_start3A_31] : memref<128x128xf32, #tpu.memory_space<vmem>> -> memref<120x128xf32, #tpu.memory_space<vmem>>
      tpu.enqueue_dma source(%dma_start3A_32 : memref<120x128xf32, #tpu.memory_space<vmem>>) target(%dma_start3A_29 : memref<120x128xf32, #tpu.memory_space<vmem_shared>>) target_semaphore(%run_scoped3A : memref<!tpu.dma_semaphore, #tpu.memory_space<semaphore_mem>>)
      %dma_wait3A = arith.constant 0 : i32
      %dma_wait3A_33 = arith.constant 0 : i32
      %dma_wait3A_34 = tpu.memref_slice %arg9[%dma_wait3A, %dma_wait3A_33] : memref<128x128xf32, #tpu.memory_space<vmem>> -> memref<120x128xf32, #tpu.memory_space<vmem>>
      %dma_wait3A_35 = arith.constant 0 : i32
      %dma_wait3A_36 = tpu.memref_slice %arg6[%add3A_13, %dma_wait3A_35] : memref<10112x128xf32, #tpu.memory_space<vmem_shared>> -> memref<120x128xf32, #tpu.memory_space<vmem_shared>>
      %dma_wait3A_37 = arith.constant 0 : i32
      %dma_wait3A_38 = tpu.memref_slice %arg6[%add3A_13, %dma_wait3A_37] : memref<10112x128xf32, #tpu.memory_space<vmem_shared>> -> memref<120x128xf32, #tpu.memory_space<vmem_shared>>
      %dma_wait3A_39 = arith.constant 0 : i32
      %dma_wait3A_40 = arith.constant 0 : i32
      %dma_wait3A_41 = tpu.memref_slice %arg9[%dma_wait3A_39, %dma_wait3A_40] : memref<128x128xf32, #tpu.memory_space<vmem>> -> memref<120x128xf32, #tpu.memory_space<vmem>>
      tpu.wait_dma2 semaphore(%run_scoped3A : memref<!tpu.dma_semaphore, #tpu.memory_space<semaphore_mem>>) src(%dma_wait3A_41 : memref<120x128xf32, #tpu.memory_space<vmem>>) dst(%dma_wait3A_38 : memref<120x128xf32, #tpu.memory_space<vmem_shared>>)
      tpu.yield
    }) : () -> ()
    %barrier3A = arith.constant 0 : index
    tpu.barrier barrier_id(%barrier3A)
    %scan3A_14 = arith.constant 0 : i32
    %scan3A_15 = arith.constant 2 : i32
    %scan3A_16 = arith.addi %scan3A_14, %scan3A_15 : i32
    %scan3A_17 = arith.constant 1 : i32
    scf.for %scan3A_24 = %scan3A_14 to %scan3A_16 step %scan3A_17  : i32 {
      %mul3A_25 = arith.constant 1 : i32
      %mul3A_26 = arith.muli %scan3A_24, %mul3A_25 : i32
      %add3A_27 = arith.constant 0 : i32
      %add3A_28 = arith.addi %add3A_27, %mul3A_26 : i32
      %mul3A_29 = arith.constant 80 : i32
      %mul3A_30 = arith.muli %add3A, %mul3A_29 : i32
      %mul3A_31 = arith.constant 40 : i32
      %mul3A_32 = arith.muli %add3A_28, %mul3A_31 : i32
      %add3A_33 = arith.addi %mul3A_30, %mul3A_32 : i32
      "tpu.region"() ({
        %run_scoped3A = tpu.sem_alloc : memref<!tpu.dma_semaphore, #tpu.memory_space<semaphore_mem>>
        %dma_start3A_45 = arith.constant 0 : i32
        %dma_start3A_46 = tpu.memref_slice %arg3[%add3A_33, %dma_start3A_45] : memref<2560x128xi32, #tpu.memory_space<hbm>> -> memref<40x128xi32, #tpu.memory_space<hbm>>
        %dma_start3A_47 = arith.constant 0 : i32
        %dma_start3A_48 = tpu.memref_slice %arg3[%add3A_33, %dma_start3A_47] : memref<2560x128xi32, #tpu.memory_space<hbm>> -> memref<40x128xi32, #tpu.memory_space<hbm>>
        tpu.enqueue_dma source(%dma_start3A_48 : memref<40x128xi32, #tpu.memory_space<hbm>>) target(%arg7 : memref<40x128xi32, #tpu.memory_space<vmem>>) target_semaphore(%run_scoped3A : memref<!tpu.dma_semaphore, #tpu.memory_space<semaphore_mem>>)
        %dma_wait3A = arith.constant 0 : i32
        %dma_wait3A_49 = tpu.memref_slice %arg3[%add3A_33, %dma_wait3A] : memref<2560x128xi32, #tpu.memory_space<hbm>> -> memref<40x128xi32, #tpu.memory_space<hbm>>
        %dma_wait3A_50 = arith.constant 0 : i32
        %dma_wait3A_51 = tpu.memref_slice %arg3[%add3A_33, %dma_wait3A_50] : memref<2560x128xi32, #tpu.memory_space<hbm>> -> memref<40x128xi32, #tpu.memory_space<hbm>>
        tpu.wait_dma2 semaphore(%run_scoped3A : memref<!tpu.dma_semaphore, #tpu.memory_space<semaphore_mem>>) src(%dma_wait3A_51 : memref<40x128xi32, #tpu.memory_space<hbm>>) dst(%arg7 : memref<40x128xi32, #tpu.memory_space<vmem>>)
        tpu.yield
      }) : () -> ()
      "tpu.region"() ({
        %run_scoped3A = tpu.sem_alloc : memref<!tpu.dma_semaphore, #tpu.memory_space<semaphore_mem>>
        %dma_start3A_45 = arith.constant 0 : i32
        %dma_start3A_46 = tpu.memref_slice %arg4[%add3A_33, %dma_start3A_45] : memref<2560x128xi32, #tpu.memory_space<hbm>> -> memref<40x128xi32, #tpu.memory_space<hbm>>
        %dma_start3A_47 = arith.constant 0 : i32
        %dma_start3A_48 = tpu.memref_slice %arg4[%add3A_33, %dma_start3A_47] : memref<2560x128xi32, #tpu.memory_space<hbm>> -> memref<40x128xi32, #tpu.memory_space<hbm>>
        tpu.enqueue_dma source(%dma_start3A_48 : memref<40x128xi32, #tpu.memory_space<hbm>>) target(%arg8 : memref<40x128xi32, #tpu.memory_space<vmem>>) target_semaphore(%run_scoped3A : memref<!tpu.dma_semaphore, #tpu.memory_space<semaphore_mem>>)
        %dma_wait3A = arith.constant 0 : i32
        %dma_wait3A_49 = tpu.memref_slice %arg4[%add3A_33, %dma_wait3A] : memref<2560x128xi32, #tpu.memory_space<hbm>> -> memref<40x128xi32, #tpu.memory_space<hbm>>
        %dma_wait3A_50 = arith.constant 0 : i32
        %dma_wait3A_51 = tpu.memref_slice %arg4[%add3A_33, %dma_wait3A_50] : memref<2560x128xi32, #tpu.memory_space<hbm>> -> memref<40x128xi32, #tpu.memory_space<hbm>>
        tpu.wait_dma2 semaphore(%run_scoped3A : memref<!tpu.dma_semaphore, #tpu.memory_space<semaphore_mem>>) src(%dma_wait3A_51 : memref<40x128xi32, #tpu.memory_space<hbm>>) dst(%arg8 : memref<40x128xi32, #tpu.memory_space<vmem>>)
        tpu.yield
      }) : () -> ()
      %dma_start3A = arith.constant 0 : i32
      %dma_start3A_34 = arith.constant 0 : i32
      %dma_start3A_35 = tpu.memref_slice %arg7[%dma_start3A, %dma_start3A_34] : memref<40x128xi32, #tpu.memory_space<vmem>> -> memref<1x128xi32, #tpu.memory_space<vmem>>
      %dma_start3A_36 = tpu.memref_squeeze %dma_start3A_35 : memref<1x128xi32, #tpu.memory_space<vmem>> -> memref<128xi32, #tpu.memory_space<vmem>>
      %dma_start3A_37 = arith.constant 0 : i32
      %dma_start3A_38 = arith.constant 0 : i32
      %dma_start3A_39 = tpu.memref_slice %arg2[%dma_start3A_37, %dma_start3A_38] : memref<10112x128xf32, #tpu.memory_space<hbm>> -> memref<10112x128xf32, #tpu.memory_space<hbm>>
      tpu.enqueue_indirect_dma source(%dma_start3A_39 : memref<10112x128xf32, #tpu.memory_space<hbm>>) target(%arg9 : memref<128x128xf32, #tpu.memory_space<vmem>>) offsets(%dma_start3A_36 : memref<128xi32, #tpu.memory_space<vmem>>) semaphore(%arg11 : memref<!tpu.dma_semaphore, #tpu.memory_space<semaphore_mem>>)
      %scan3A_40 = arith.constant 0 : i32
      %scan3A_41 = arith.constant 20 : i32
      %scan3A_42 = arith.addi %scan3A_40, %scan3A_41 : i32
      %scan3A_43 = arith.constant 1 : i32
      scf.for %scan3A_45 = %scan3A_40 to %scan3A_42 step %scan3A_43  : i32 {
        %mul3A_46 = arith.constant 2 : i32
        %mul3A_47 = arith.muli %scan3A_45, %mul3A_46 : i32
        %add3A_48 = arith.constant 0 : i32
        %add3A_49 = arith.addi %add3A_48, %mul3A_47 : i32
        %dma_wait3A = arith.constant 0 : i32
        %dma_wait3A_50 = tpu.memref_slice %arg7[%add3A_49, %dma_wait3A] : memref<40x128xi32, #tpu.memory_space<vmem>> -> memref<1x128xi32, #tpu.memory_space<vmem>>
        %dma_wait3A_51 = tpu.memref_squeeze %dma_wait3A_50 : memref<1x128xi32, #tpu.memory_space<vmem>> -> memref<128xi32, #tpu.memory_space<vmem>>
        %dma_wait3A_52 = arith.constant 0 : i32
        %dma_wait3A_53 = arith.constant 0 : i32
        %dma_wait3A_54 = tpu.memref_slice %arg2[%dma_wait3A_52, %dma_wait3A_53] : memref<10112x128xf32, #tpu.memory_space<hbm>> -> memref<10112x128xf32, #tpu.memory_space<hbm>>
        tpu.wait_indirect_dma semaphore(%arg11 : memref<!tpu.dma_semaphore, #tpu.memory_space<semaphore_mem>>) src(%dma_wait3A_54 : memref<10112x128xf32, #tpu.memory_space<hbm>>) dst(%arg9 : memref<128x128xf32, #tpu.memory_space<vmem>>)
        %add3A_55 = arith.constant 1 : i32
        %add3A_56 = arith.addi %add3A_49, %add3A_55 : i32
        %dma_start3A_57 = arith.constant 0 : i32
        %dma_start3A_58 = tpu.memref_slice %arg7[%add3A_56, %dma_start3A_57] : memref<40x128xi32, #tpu.memory_space<vmem>> -> memref<1x128xi32, #tpu.memory_space<vmem>>
        %dma_start3A_59 = tpu.memref_squeeze %dma_start3A_58 : memref<1x128xi32, #tpu.memory_space<vmem>> -> memref<128xi32, #tpu.memory_space<vmem>>
        %dma_start3A_60 = arith.constant 0 : i32
        %dma_start3A_61 = arith.constant 0 : i32
        %dma_start3A_62 = tpu.memref_slice %arg2[%dma_start3A_60, %dma_start3A_61] : memref<10112x128xf32, #tpu.memory_space<hbm>> -> memref<10112x128xf32, #tpu.memory_space<hbm>>
        tpu.enqueue_indirect_dma source(%dma_start3A_62 : memref<10112x128xf32, #tpu.memory_space<hbm>>) target(%arg10 : memref<128x128xf32, #tpu.memory_space<vmem>>) offsets(%dma_start3A_59 : memref<128xi32, #tpu.memory_space<vmem>>) semaphore(%arg12 : memref<!tpu.dma_semaphore, #tpu.memory_space<semaphore_mem>>)
        "tpu.region"() ({
          %run_scoped3A = tpu.sem_alloc : memref<!tpu.dma_semaphore, #tpu.memory_space<semaphore_mem>>
          %dma_start3A_77 = arith.constant 0 : i32
          %dma_start3A_78 = tpu.memref_slice %arg8[%add3A_49, %dma_start3A_77] : memref<40x128xi32, #tpu.memory_space<vmem>> -> memref<1x128xi32, #tpu.memory_space<vmem>>
          %dma_start3A_79 = tpu.memref_squeeze %dma_start3A_78 : memref<1x128xi32, #tpu.memory_space<vmem>> -> memref<128xi32, #tpu.memory_space<vmem>>
          %dma_start3A_80 = arith.constant 0 : i32
          %dma_start3A_81 = arith.constant 0 : i32
          %dma_start3A_82 = tpu.memref_slice %arg6[%dma_start3A_80, %dma_start3A_81] : memref<10112x128xf32, #tpu.memory_space<vmem_shared>> -> memref<10112x128xf32, #tpu.memory_space<vmem_shared>>
          tpu.enqueue_indirect_dma source(%arg9 : memref<128x128xf32, #tpu.memory_space<vmem>>) target(%dma_start3A_82 : memref<10112x128xf32, #tpu.memory_space<vmem_shared>>) offsets(%dma_start3A_79 : memref<128xi32, #tpu.memory_space<vmem>>) semaphore(%run_scoped3A : memref<!tpu.dma_semaphore, #tpu.memory_space<semaphore_mem>>) {add = true}
          %dma_wait3A_83 = arith.constant 0 : i32
          %dma_wait3A_84 = tpu.memref_slice %arg8[%add3A_49, %dma_wait3A_83] : memref<40x128xi32, #tpu.memory_space<vmem>> -> memref<1x128xi32, #tpu.memory_space<vmem>>
          %dma_wait3A_85 = tpu.memref_squeeze %dma_wait3A_84 : memref<1x128xi32, #tpu.memory_space<vmem>> -> memref<128xi32, #tpu.memory_space<vmem>>
          %dma_wait3A_86 = arith.constant 0 : i32
          %dma_wait3A_87 = arith.constant 0 : i32
          %dma_wait3A_88 = tpu.memref_slice %arg6[%dma_wait3A_86, %dma_wait3A_87] : memref<10112x128xf32, #tpu.memory_space<vmem_shared>> -> memref<10112x128xf32, #tpu.memory_space<vmem_shared>>
          tpu.wait_indirect_dma semaphore(%run_scoped3A : memref<!tpu.dma_semaphore, #tpu.memory_space<semaphore_mem>>) src(%arg9 : memref<128x128xf32, #tpu.memory_space<vmem>>) dst(%dma_wait3A_88 : memref<10112x128xf32, #tpu.memory_space<vmem_shared>>)
          tpu.yield
        }) : () -> ()
        %add3A_63 = arith.constant 1 : i32
        %add3A_64 = arith.addi %add3A_49, %add3A_63 : i32
        %dma_wait3A_65 = arith.constant 0 : i32
        %dma_wait3A_66 = tpu.memref_slice %arg7[%add3A_64, %dma_wait3A_65] : memref<40x128xi32, #tpu.memory_space<vmem>> -> memref<1x128xi32, #tpu.memory_space<vmem>>
        %dma_wait3A_67 = tpu.memref_squeeze %dma_wait3A_66 : memref<1x128xi32, #tpu.memory_space<vmem>> -> memref<128xi32, #tpu.memory_space<vmem>>
        %dma_wait3A_68 = arith.constant 0 : i32
        %dma_wait3A_69 = arith.constant 0 : i32
        %dma_wait3A_70 = tpu.memref_slice %arg2[%dma_wait3A_68, %dma_wait3A_69] : memref<10112x128xf32, #tpu.memory_space<hbm>> -> memref<10112x128xf32, #tpu.memory_space<hbm>>
        tpu.wait_indirect_dma semaphore(%arg12 : memref<!tpu.dma_semaphore, #tpu.memory_space<semaphore_mem>>) src(%dma_wait3A_70 : memref<10112x128xf32, #tpu.memory_space<hbm>>) dst(%arg10 : memref<128x128xf32, #tpu.memory_space<vmem>>)
        %add3A_71 = arith.constant 2 : i32
        %add3A_72 = arith.addi %add3A_49, %add3A_71 : i32
        %lt3A = arith.constant 40 : i32
        %lt3A_73 = arith.cmpi slt, %add3A_72, %lt3A : i32
        %convert_element_type3A = arith.extui %lt3A_73 : i1 to i32
        %cond3A = arith.constant 0 : i32
        %cond3A_74 = arith.cmpi ne, %convert_element_type3A, %cond3A : i32
        scf.if %cond3A_74 {
          %add3A_77 = arith.constant 2 : i32
          %add3A_78 = arith.addi %add3A_49, %add3A_77 : i32
          %dma_start3A_79 = arith.constant 0 : i32
          %dma_start3A_80 = tpu.memref_slice %arg7[%add3A_78, %dma_start3A_79] : memref<40x128xi32, #tpu.memory_space<vmem>> -> memref<1x128xi32, #tpu.memory_space<vmem>>
          %dma_start3A_81 = tpu.memref_squeeze %dma_start3A_80 : memref<1x128xi32, #tpu.memory_space<vmem>> -> memref<128xi32, #tpu.memory_space<vmem>>
          %dma_start3A_82 = arith.constant 0 : i32
          %dma_start3A_83 = arith.constant 0 : i32
          %dma_start3A_84 = tpu.memref_slice %arg2[%dma_start3A_82, %dma_start3A_83] : memref<10112x128xf32, #tpu.memory_space<hbm>> -> memref<10112x128xf32, #tpu.memory_space<hbm>>
          tpu.enqueue_indirect_dma source(%dma_start3A_84 : memref<10112x128xf32, #tpu.memory_space<hbm>>) target(%arg9 : memref<128x128xf32, #tpu.memory_space<vmem>>) offsets(%dma_start3A_81 : memref<128xi32, #tpu.memory_space<vmem>>) semaphore(%arg11 : memref<!tpu.dma_semaphore, #tpu.memory_space<semaphore_mem>>)
        } else {
        }
        %add3A_75 = arith.constant 1 : i32
        %add3A_76 = arith.addi %add3A_49, %add3A_75 : i32
        "tpu.region"() ({
          %run_scoped3A = tpu.sem_alloc : memref<!tpu.dma_semaphore, #tpu.memory_space<semaphore_mem>>
          %dma_start3A_77 = arith.constant 0 : i32
          %dma_start3A_78 = tpu.memref_slice %arg8[%add3A_76, %dma_start3A_77] : memref<40x128xi32, #tpu.memory_space<vmem>> -> memref<1x128xi32, #tpu.memory_space<vmem>>
          %dma_start3A_79 = tpu.memref_squeeze %dma_start3A_78 : memref<1x128xi32, #tpu.memory_space<vmem>> -> memref<128xi32, #tpu.memory_space<vmem>>
          %dma_start3A_80 = arith.constant 0 : i32
          %dma_start3A_81 = arith.constant 0 : i32
          %dma_start3A_82 = tpu.memref_slice %arg6[%dma_start3A_80, %dma_start3A_81] : memref<10112x128xf32, #tpu.memory_space<vmem_shared>> -> memref<10112x128xf32, #tpu.memory_space<vmem_shared>>
          tpu.enqueue_indirect_dma source(%arg10 : memref<128x128xf32, #tpu.memory_space<vmem>>) target(%dma_start3A_82 : memref<10112x128xf32, #tpu.memory_space<vmem_shared>>) offsets(%dma_start3A_79 : memref<128xi32, #tpu.memory_space<vmem>>) semaphore(%run_scoped3A : memref<!tpu.dma_semaphore, #tpu.memory_space<semaphore_mem>>) {add = true}
          %dma_wait3A_83 = arith.constant 0 : i32
          %dma_wait3A_84 = tpu.memref_slice %arg8[%add3A_76, %dma_wait3A_83] : memref<40x128xi32, #tpu.memory_space<vmem>> -> memref<1x128xi32, #tpu.memory_space<vmem>>
          %dma_wait3A_85 = tpu.memref_squeeze %dma_wait3A_84 : memref<1x128xi32, #tpu.memory_space<vmem>> -> memref<128xi32, #tpu.memory_space<vmem>>
          %dma_wait3A_86 = arith.constant 0 : i32
          %dma_wait3A_87 = arith.constant 0 : i32
          %dma_wait3A_88 = tpu.memref_slice %arg6[%dma_wait3A_86, %dma_wait3A_87] : memref<10112x128xf32, #tpu.memory_space<vmem_shared>> -> memref<10112x128xf32, #tpu.memory_space<vmem_shared>>
          tpu.wait_indirect_dma semaphore(%run_scoped3A : memref<!tpu.dma_semaphore, #tpu.memory_space<semaphore_mem>>) src(%arg10 : memref<128x128xf32, #tpu.memory_space<vmem>>) dst(%dma_wait3A_88 : memref<10112x128xf32, #tpu.memory_space<vmem_shared>>)
          tpu.yield
        }) : () -> ()
      }
      %scan3A_44 = arith.constant 20 : i32
    }
    %scan3A_18 = arith.constant 2 : i32
    %barrier3A_19 = arith.constant 0 : index
    tpu.barrier barrier_id(%barrier3A_19)
    %mul3A_20 = arith.constant 632 : i32
    %mul3A_21 = arith.muli %arg1, %mul3A_20 : i32
    %mul3A_22 = arith.constant 632 : i32
    %mul3A_23 = arith.muli %arg1, %mul3A_22 : i32
    "tpu.region"() ({
      %run_scoped3A = tpu.sem_alloc : memref<!tpu.dma_semaphore, #tpu.memory_space<semaphore_mem>>
      %dma_start3A = arith.constant 0 : i32
      %dma_start3A_24 = tpu.memref_slice %arg5[%arg0, %mul3A_23, %dma_start3A] : memref<2x10112x128xf32, #tpu.memory_space<hbm>> -> memref<1x632x128xf32, #tpu.memory_space<hbm>>
      %dma_start3A_25 = tpu.memref_squeeze %dma_start3A_24 : memref<1x632x128xf32, #tpu.memory_space<hbm>> -> memref<632x128xf32, #tpu.memory_space<hbm>>
      %dma_start3A_26 = arith.constant 0 : i32
      %dma_start3A_27 = tpu.memref_slice %arg6[%mul3A_21, %dma_start3A_26] : memref<10112x128xf32, #tpu.memory_space<vmem_shared>> -> memref<632x128xf32, #tpu.memory_space<vmem_shared>>
      tpu.enqueue_dma source(%dma_start3A_27 : memref<632x128xf32, #tpu.memory_space<vmem_shared>>) target(%dma_start3A_25 : memref<632x128xf32, #tpu.memory_space<hbm>>) target_semaphore(%run_scoped3A : memref<!tpu.dma_semaphore, #tpu.memory_space<semaphore_mem>>)
      %dma_wait3A = arith.constant 0 : i32
      %dma_wait3A_28 = tpu.memref_slice %arg5[%arg0, %mul3A_23, %dma_wait3A] : memref<2x10112x128xf32, #tpu.memory_space<hbm>> -> memref<1x632x128xf32, #tpu.memory_space<hbm>>
      %dma_wait3A_29 = tpu.memref_squeeze %dma_wait3A_28 : memref<1x632x128xf32, #tpu.memory_space<hbm>> -> memref<632x128xf32, #tpu.memory_space<hbm>>
      %dma_wait3A_30 = arith.constant 0 : i32
      %dma_wait3A_31 = tpu.memref_slice %arg6[%mul3A_21, %dma_wait3A_30] : memref<10112x128xf32, #tpu.memory_space<vmem_shared>> -> memref<632x128xf32, #tpu.memory_space<vmem_shared>>
      tpu.wait_dma2 semaphore(%run_scoped3A : memref<!tpu.dma_semaphore, #tpu.memory_space<semaphore_mem>>) src(%dma_wait3A_31 : memref<632x128xf32, #tpu.memory_space<vmem_shared>>) dst(%dma_wait3A_29 : memref<632x128xf32, #tpu.memory_space<hbm>>)
      tpu.yield
    }) : () -> ()
    return
  }
}

module attributes {stable_mosaic.version = 14 : i64} {
  func.func @_tc1a_body(%arg0: i32, %arg1: memref<2528x128xf32, #tpu.memory_space<vmem>>, %arg2: memref<128x128xf32, #tpu.memory_space<vmem>>, %arg3: memref<2528x128xf32, #tpu.memory_space<vmem>>) attributes {dimension_semantics = [#tpu.dimension_semantics<arbitrary>], iteration_bounds = array<i64: 4>, scalar_prefetch = 0 : i64, scratch_operands = 0 : i64, tpu.core_type = #tpu.core_type<tc>, window_params = [{transform_indices = @transform_0, window_bounds = array<i64: 2528, 128>}, {pipeline_mode = #tpu.pipeline_mode<synchronous>, transform_indices = @transform_1, window_bounds = array<i64: 128, 128>}, {transform_indices = @transform_2, window_bounds = array<i64: 2528, 128>}]} {
    %get3A = arith.constant 0 : index
    %get3A_0 = arith.constant 0 : index
    %get3A_1 = vector.load %arg1[%get3A, %get3A_0] : memref<2528x128xf32, #tpu.memory_space<vmem>>, vector<2528x128xf32>
    %get3A_2 = arith.constant 0 : index
    %get3A_3 = arith.constant 0 : index
    %get3A_4 = vector.load %arg2[%get3A_2, %get3A_3] : memref<128x128xf32, #tpu.memory_space<vmem>>, vector<128x128xf32>
    %dot_general3A = arith.constant dense<0.000000e+00> : vector<2528x128xf32>
    %dot_general3A_5 = tpu.matmul %get3A_1, %get3A_4, %dot_general3A {dimension_numbers = #tpu.dot_dimension_numbers<[1], [0], [0], [1], [0, 0, 1, 1], [], []>, precision = #tpu.contract_precision<fp32>, transpose_lhs_hint = false} : vector<2528x128xf32>, vector<128x128xf32>, vector<2528x128xf32> -> vector<2528x128xf32>
    %swap3A = arith.constant 0 : index
    %swap3A_6 = arith.constant 0 : index
    %swap3A_7 = vector.load %arg3[%swap3A, %swap3A_6] : memref<2528x128xf32, #tpu.memory_space<vmem>>, vector<2528x128xf32>
    tpu.vector_store %arg3[%swap3A, %swap3A_6], %dot_general3A_5 {strides = array<i32>} : memref<2528x128xf32, #tpu.memory_space<vmem>>, vector<2528x128xf32>,
    return
  }
  func.func @transform_0(%arg0: i32) -> (i32, i32) {
    %c0_i32 = arith.constant 0 : i32
    %c0_i32_0 = arith.constant 0 : i32
    return %arg0, %c0_i32 : i32, i32
  }
  func.func @transform_1(%arg0: i32) -> (i32, i32) {
    %c0_i32 = arith.constant 0 : i32
    %c0_i32_0 = arith.constant 0 : i32
    %c0_i32_1 = arith.constant 0 : i32
    return %c0_i32, %c0_i32_0 : i32, i32
  }
  func.func @transform_2(%arg0: i32) -> (i32, i32) {
    %c0_i32 = arith.constant 0 : i32
    %c0_i32_0 = arith.constant 0 : i32
    return %arg0, %c0_i32 : i32, i32
  }
}

module attributes {stable_mosaic.version = 14 : i64} {
  func.func @_tc1b_body(%arg0: i32, %arg1: memref<2528x128xf32, #tpu.memory_space<vmem>>, %arg2: memref<2528x32xf32, #tpu.memory_space<vmem>>, %arg3: memref<2528x128xf32, #tpu.memory_space<vmem>>, %arg4: memref<2528x1xf32, #tpu.memory_space<vmem>>) attributes {dimension_semantics = [#tpu.dimension_semantics<arbitrary>], iteration_bounds = array<i64: 4>, scalar_prefetch = 0 : i64, scratch_operands = 0 : i64, tpu.core_type = #tpu.core_type<tc>, window_params = [{transform_indices = @transform_0, window_bounds = array<i64: 2528, 128>}, {transform_indices = @transform_1, window_bounds = array<i64: 2528, 32>}, {transform_indices = @transform_2, window_bounds = array<i64: 2528, 128>}, {transform_indices = @transform_3, window_bounds = array<i64: 2528, 1>}]} {
    %get3A = arith.constant 0 : index
    %get3A_0 = arith.constant 0 : index
    %get3A_1 = vector.load %arg2[%get3A, %get3A_0] : memref<2528x32xf32, #tpu.memory_space<vmem>>, vector<2528x32xf32>
    %reduce_sum3A = arith.constant dense<0.000000e+00> : vector<2528xf32>
    %reduce_sum3A_2 = vector.multi_reduction <add>, %get3A_1, %reduce_sum3A [1] : vector<2528x32xf32> to vector<2528xf32>
    %broadcast_in_dim3A = vector.shape_cast %reduce_sum3A_2 : vector<2528xf32> to vector<2528x1xf32>
    %add3A = arith.constant 1.000000e+00 : f32
    %add3A_3 = vector.broadcast %add3A : f32 to vector<2528x1xf32>
    %add3A_4 = arith.addf %add3A_3, %broadcast_in_dim3A : vector<2528x1xf32>
    %max3A = arith.constant 1.000000e+00 : f32
    %max3A_5 = vector.broadcast %max3A : f32 to vector<2528x1xf32>
    %max3A_6 = arith.maximumf %add3A_4, %max3A_5 : vector<2528x1xf32>
    %rsqrt3A = math.rsqrt %max3A_6 : vector<2528x1xf32>
    %get3A_7 = arith.constant 0 : index
    %get3A_8 = arith.constant 0 : index
    %get3A_9 = vector.load %arg1[%get3A_7, %get3A_8] : memref<2528x128xf32, #tpu.memory_space<vmem>>, vector<2528x128xf32>
    %mul3A = vector.broadcast %rsqrt3A : vector<2528x1xf32> to vector<2528x128xf32>
    %mul3A_10 = arith.mulf %get3A_9, %mul3A : vector<2528x128xf32>
    %swap3A = arith.constant 0 : index
    %swap3A_11 = arith.constant 0 : index
    %swap3A_12 = vector.load %arg3[%swap3A, %swap3A_11] : memref<2528x128xf32, #tpu.memory_space<vmem>>, vector<2528x128xf32>
    tpu.vector_store %arg3[%swap3A, %swap3A_11], %mul3A_10 {strides = array<i32>} : memref<2528x128xf32, #tpu.memory_space<vmem>>, vector<2528x128xf32>,
    %swap3A_13 = arith.constant 0 : index
    %swap3A_14 = arith.constant 0 : index
    %swap3A_15 = vector.load %arg4[%swap3A_13, %swap3A_14] : memref<2528x1xf32, #tpu.memory_space<vmem>>, vector<2528x1xf32>
    tpu.vector_store %arg4[%swap3A_13, %swap3A_14], %rsqrt3A {strides = array<i32>} : memref<2528x1xf32, #tpu.memory_space<vmem>>, vector<2528x1xf32>,
    return
  }
  func.func @transform_0(%arg0: i32) -> (i32, i32) {
    %c0_i32 = arith.constant 0 : i32
    %c0_i32_0 = arith.constant 0 : i32
    return %arg0, %c0_i32 : i32, i32
  }
  func.func @transform_1(%arg0: i32) -> (i32, i32) {
    %c0_i32 = arith.constant 0 : i32
    %c0_i32_0 = arith.constant 0 : i32
    return %arg0, %c0_i32 : i32, i32
  }
  func.func @transform_2(%arg0: i32) -> (i32, i32) {
    %c0_i32 = arith.constant 0 : i32
    %c0_i32_0 = arith.constant 0 : i32
    return %arg0, %c0_i32 : i32, i32
  }
  func.func @transform_3(%arg0: i32) -> (i32, i32) {
    %c0_i32 = arith.constant 0 : i32
    %c0_i32_0 = arith.constant 0 : i32
    return %arg0, %c0_i32 : i32, i32
  }
}

module attributes {stable_mosaic.version = 14 : i64} {
  func.func @_tc2_body(%arg0: i32, %arg1: memref<2x2528x128xf32, #tpu.memory_space<vmem>>, %arg2: memref<2528x128xf32, #tpu.memory_space<vmem>>, %arg3: memref<2528x1xf32, #tpu.memory_space<vmem>>, %arg4: memref<1x128xf32, #tpu.memory_space<vmem>>, %arg5: memref<128x128xf32, #tpu.memory_space<vmem>>, %arg6: memref<2528x128xf32, #tpu.memory_space<vmem>>) attributes {dimension_semantics = [#tpu.dimension_semantics<arbitrary>], iteration_bounds = array<i64: 4>, scalar_prefetch = 0 : i64, scratch_operands = 0 : i64, tpu.core_type = #tpu.core_type<tc>, window_params = [{transform_indices = @transform_0, window_bounds = array<i64: 2, 2528, 128>}, {transform_indices = @transform_1, window_bounds = array<i64: 2528, 128>}, {transform_indices = @transform_2, window_bounds = array<i64: 2528, 1>}, {pipeline_mode = #tpu.pipeline_mode<synchronous>, transform_indices = @transform_3, window_bounds = array<i64: 1, 128>}, {pipeline_mode = #tpu.pipeline_mode<synchronous>, transform_indices = @transform_4, window_bounds = array<i64: 128, 128>}, {transform_indices = @transform_5, window_bounds = array<i64: 2528, 128>}]} {
    %get3A = arith.constant 0 : index
    %get3A_0 = arith.constant 0 : index
    %get3A_1 = vector.load %arg3[%get3A, %get3A_0] : memref<2528x1xf32, #tpu.memory_space<vmem>>, vector<2528x1xf32>
    %get3A_2 = arith.constant 0 : index
    %get3A_3 = arith.constant 0 : index
    %get3A_4 = arith.constant 0 : index
    %get3A_5 = vector.load %arg1[%get3A_2, %get3A_3, %get3A_4] : memref<2x2528x128xf32, #tpu.memory_space<vmem>>, vector<1x2528x128xf32>
    %get3A_6 = vector.shape_cast %get3A_5 : vector<1x2528x128xf32> to vector<2528x128xf32>
    %get3A_7 = arith.constant 1 : index
    %get3A_8 = arith.constant 0 : index
    %get3A_9 = arith.constant 0 : index
    %get3A_10 = vector.load %arg1[%get3A_7, %get3A_8, %get3A_9] : memref<2x2528x128xf32, #tpu.memory_space<vmem>>, vector<1x2528x128xf32>
    %get3A_11 = vector.shape_cast %get3A_10 : vector<1x2528x128xf32> to vector<2528x128xf32>
    %add3A = arith.addf %get3A_6, %get3A_11 : vector<2528x128xf32>
    %get3A_12 = arith.constant 0 : index
    %get3A_13 = arith.constant 0 : index
    %get3A_14 = vector.load %arg2[%get3A_12, %get3A_13] : memref<2528x128xf32, #tpu.memory_space<vmem>>, vector<2528x128xf32>
    %add3A_15 = arith.addf %add3A, %get3A_14 : vector<2528x128xf32>
    %mul3A = vector.broadcast %get3A_1 : vector<2528x1xf32> to vector<2528x128xf32>
    %mul3A_16 = arith.mulf %mul3A, %add3A_15 : vector<2528x128xf32>
    %get3A_17 = arith.constant 0 : index
    %get3A_18 = arith.constant 0 : index
    %get3A_19 = vector.load %arg4[%get3A_17, %get3A_18] : memref<1x128xf32, #tpu.memory_space<vmem>>, vector<1x128xf32>
    %add3A_20 = vector.broadcast %get3A_19 : vector<1x128xf32> to vector<2528x128xf32>
    %add3A_21 = arith.addf %mul3A_16, %add3A_20 : vector<2528x128xf32>
    %max3A = arith.constant 0.000000e+00 : f32
    %max3A_22 = vector.broadcast %max3A : f32 to vector<2528x128xf32>
    %max3A_23 = arith.maximumf %add3A_21, %max3A_22 : vector<2528x128xf32>
    %get3A_24 = arith.constant 0 : index
    %get3A_25 = arith.constant 0 : index
    %get3A_26 = vector.load %arg5[%get3A_24, %get3A_25] : memref<128x128xf32, #tpu.memory_space<vmem>>, vector<128x128xf32>
    %dot_general3A = arith.constant dense<0.000000e+00> : vector<2528x128xf32>
    %dot_general3A_27 = tpu.matmul %max3A_23, %get3A_26, %dot_general3A {dimension_numbers = #tpu.dot_dimension_numbers<[1], [0], [0], [1], [0, 0, 1, 1], [], []>, precision = #tpu.contract_precision<fp32>, transpose_lhs_hint = false} : vector<2528x128xf32>, vector<128x128xf32>, vector<2528x128xf32> -> vector<2528x128xf32>
    %mul3A_28 = vector.broadcast %get3A_1 : vector<2528x1xf32> to vector<2528x128xf32>
    %mul3A_29 = arith.mulf %dot_general3A_27, %mul3A_28 : vector<2528x128xf32>
    %swap3A = arith.constant 0 : index
    %swap3A_30 = arith.constant 0 : index
    %swap3A_31 = vector.load %arg6[%swap3A, %swap3A_30] : memref<2528x128xf32, #tpu.memory_space<vmem>>, vector<2528x128xf32>
    tpu.vector_store %arg6[%swap3A, %swap3A_30], %mul3A_29 {strides = array<i32>} : memref<2528x128xf32, #tpu.memory_space<vmem>>, vector<2528x128xf32>,
    return
  }
  func.func @transform_0(%arg0: i32) -> (i32, i32, i32) {
    %c0_i32 = arith.constant 0 : i32
    %c0_i32_0 = arith.constant 0 : i32
    %c0_i32_1 = arith.constant 0 : i32
    return %c0_i32, %arg0, %c0_i32_0 : i32, i32, i32
  }
  func.func @transform_1(%arg0: i32) -> (i32, i32) {
    %c0_i32 = arith.constant 0 : i32
    %c0_i32_0 = arith.constant 0 : i32
    return %arg0, %c0_i32 : i32, i32
  }
  func.func @transform_2(%arg0: i32) -> (i32, i32) {
    %c0_i32 = arith.constant 0 : i32
    %c0_i32_0 = arith.constant 0 : i32
    return %arg0, %c0_i32 : i32, i32
  }
  func.func @transform_3(%arg0: i32) -> (i32, i32) {
    %c0_i32 = arith.constant 0 : i32
    %c0_i32_0 = arith.constant 0 : i32
    %c0_i32_1 = arith.constant 0 : i32
    return %c0_i32, %c0_i32_0 : i32, i32
  }
  func.func @transform_4(%arg0: i32) -> (i32, i32) {
    %c0_i32 = arith.constant 0 : i32
    %c0_i32_0 = arith.constant 0 : i32
    %c0_i32_1 = arith.constant 0 : i32
    return %c0_i32, %c0_i32_0 : i32, i32
  }
  func.func @transform_5(%arg0: i32) -> (i32, i32) {
    %c0_i32 = arith.constant 0 : i32
    %c0_i32_0 = arith.constant 0 : i32
    return %arg0, %c0_i32 : i32, i32
  }
}

module attributes {stable_mosaic.version = 14 : i64} {
  func.func @_tc3_body(%arg0: memref<2x10112x128xf32, #tpu.memory_space<vmem>>, %arg1: memref<10112x128xf32, #tpu.memory_space<vmem>>, %arg2: memref<10112x1xf32, #tpu.memory_space<vmem>>, %arg3: memref<1x128xf32, #tpu.memory_space<vmem>>, %arg4: memref<1x10112xi32, #tpu.memory_space<vmem>>, %arg5: memref<128x1xf32, #tpu.memory_space<vmem>>, %arg6: memref<1x1xf32, #tpu.memory_space<vmem>>, %arg7: memref<64x1xf32, #tpu.memory_space<vmem>>) attributes {dimension_semantics = [], scalar_prefetch = 0 : i64, scratch_operands = 0 : i64, tpu.core_type = #tpu.core_type<tc>} {
    %get3A = arith.constant 0 : index
    %get3A_0 = arith.constant 0 : index
    %get3A_1 = vector.load %arg2[%get3A, %get3A_0] : memref<10112x1xf32, #tpu.memory_space<vmem>>, vector<10112x1xf32>
    %get3A_2 = arith.constant 0 : index
    %get3A_3 = arith.constant 0 : index
    %get3A_4 = arith.constant 0 : index
    %get3A_5 = vector.load %arg0[%get3A_2, %get3A_3, %get3A_4] : memref<2x10112x128xf32, #tpu.memory_space<vmem>>, vector<1x10112x128xf32>
    %get3A_6 = vector.shape_cast %get3A_5 : vector<1x10112x128xf32> to vector<10112x128xf32>
    %get3A_7 = arith.constant 1 : index
    %get3A_8 = arith.constant 0 : index
    %get3A_9 = arith.constant 0 : index
    %get3A_10 = vector.load %arg0[%get3A_7, %get3A_8, %get3A_9] : memref<2x10112x128xf32, #tpu.memory_space<vmem>>, vector<1x10112x128xf32>
    %get3A_11 = vector.shape_cast %get3A_10 : vector<1x10112x128xf32> to vector<10112x128xf32>
    %add3A = arith.addf %get3A_6, %get3A_11 : vector<10112x128xf32>
    %get3A_12 = arith.constant 0 : index
    %get3A_13 = arith.constant 0 : index
    %get3A_14 = vector.load %arg1[%get3A_12, %get3A_13] : memref<10112x128xf32, #tpu.memory_space<vmem>>, vector<10112x128xf32>
    %add3A_15 = arith.addf %add3A, %get3A_14 : vector<10112x128xf32>
    %mul3A = vector.broadcast %get3A_1 : vector<10112x1xf32> to vector<10112x128xf32>
    %mul3A_16 = arith.mulf %mul3A, %add3A_15 : vector<10112x128xf32>
    %get3A_17 = arith.constant 0 : index
    %get3A_18 = arith.constant 0 : index
    %get3A_19 = vector.load %arg3[%get3A_17, %get3A_18] : memref<1x128xf32, #tpu.memory_space<vmem>>, vector<1x128xf32>
    %add3A_20 = vector.broadcast %get3A_19 : vector<1x128xf32> to vector<10112x128xf32>
    %add3A_21 = arith.addf %mul3A_16, %add3A_20 : vector<10112x128xf32>
    %max3A = arith.constant 0.000000e+00 : f32
    %max3A_22 = vector.broadcast %max3A : f32 to vector<10112x128xf32>
    %max3A_23 = arith.maximumf %add3A_21, %max3A_22 : vector<10112x128xf32>
    %iota3A = tpu.iota {dimensions = array<i32: 0>} : vector<10112x1xi32>
    %lt3A = arith.constant 10000 : i32
    %lt3A_24 = vector.broadcast %lt3A : i32 to vector<10112x1xi32>
    %lt3A_25 = arith.cmpi slt, %iota3A, %lt3A_24 : vector<10112x1xi32>
    %jit3A = arith.constant 0.000000e+00 : f32
    %broadcast_in_dim3A = vector.shape_cast %lt3A_25 : vector<10112x1xi1> to vector<10112x1xi1>
    %broadcast_in_dim3A_26 = vector.broadcast %broadcast_in_dim3A : vector<10112x1xi1> to vector<10112x128xi1>
    %broadcast_in_dim3A_27 = vector.broadcast %jit3A : f32 to vector<10112x128xf32>
    %select_n3A = arith.select %broadcast_in_dim3A_26, %max3A_23, %broadcast_in_dim3A_27 : vector<10112x128xi1>, vector<10112x128xf32>
    %iota3A_28 = tpu.iota {dimensions = array<i32: 0>} : vector<64x10112xi32>
    %get3A_29 = arith.constant 0 : index
    %get3A_30 = arith.constant 0 : index
    %get3A_31 = vector.load %arg4[%get3A_29, %get3A_30] : memref<1x10112xi32, #tpu.memory_space<vmem>>, vector<1x10112xi32>
    %eq3A = vector.broadcast %get3A_31 : vector<1x10112xi32> to vector<64x10112xi32>
    %eq3A_32 = arith.cmpi eq, %iota3A_28, %eq3A : vector<64x10112xi32>
    %convert_element_type3A = arith.extui %eq3A_32 : vector<64x10112xi1> to vector<64x10112xi32>
    %convert_element_type3A_33 = arith.sitofp %convert_element_type3A : vector<64x10112xi32> to vector<64x10112xf32>
    %dot_general3A = arith.constant dense<0.000000e+00> : vector<64x128xf32>
    %dot_general3A_34 = tpu.matmul %convert_element_type3A_33, %select_n3A, %dot_general3A {dimension_numbers = #tpu.dot_dimension_numbers<[1], [0], [0], [1], [0, 0, 1, 1], [], []>, precision = #tpu.contract_precision<fp32>, transpose_lhs_hint = false} : vector<64x10112xf32>, vector<10112x128xf32>, vector<64x128xf32> -> vector<64x128xf32>
    %reduce_sum3A = arith.constant dense<0.000000e+00> : vector<64xf32>
    %reduce_sum3A_35 = vector.multi_reduction <add>, %convert_element_type3A_33, %reduce_sum3A [1] : vector<64x10112xf32> to vector<64xf32>
    %reshape3A = vector.shape_cast %reduce_sum3A_35 : vector<64xf32> to vector<64x1xf32>
    %max3A_36 = arith.constant 1.000000e+00 : f32
    %max3A_37 = vector.broadcast %max3A_36 : f32 to vector<64x1xf32>
    %max3A_38 = arith.maximumf %reshape3A, %max3A_37 : vector<64x1xf32>
    %div3A = vector.broadcast %max3A_38 : vector<64x1xf32> to vector<64x128xf32>
    %div3A_39 = arith.divf %dot_general3A_34, %div3A : vector<64x128xf32>
    %get3A_40 = arith.constant 0 : index
    %get3A_41 = arith.constant 0 : index
    %get3A_42 = vector.load %arg5[%get3A_40, %get3A_41] : memref<128x1xf32, #tpu.memory_space<vmem>>, vector<128x1xf32>
    %dot_general3A_43 = arith.constant dense<0.000000e+00> : vector<64x1xf32>
    %dot_general3A_44 = tpu.matmul %div3A_39, %get3A_42, %dot_general3A_43 {dimension_numbers = #tpu.dot_dimension_numbers<[1], [0], [0], [1], [0, 0, 1, 1], [], []>, precision = #tpu.contract_precision<fp32>, transpose_lhs_hint = false} : vector<64x128xf32>, vector<128x1xf32>, vector<64x1xf32> -> vector<64x1xf32>
    %get3A_45 = arith.constant 0 : index
    %get3A_46 = arith.constant 0 : index
    %get3A_47 = vector.load %arg6[%get3A_45, %get3A_46] : memref<1x1xf32, #tpu.memory_space<vmem>>, vector<1x1xf32>
    %add3A_48 = vector.broadcast %get3A_47 : vector<1x1xf32> to vector<64x1xf32>
    %add3A_49 = arith.addf %dot_general3A_44, %add3A_48 : vector<64x1xf32>
    %swap3A = arith.constant 0 : index
    %swap3A_50 = arith.constant 0 : index
    %swap3A_51 = vector.load %arg7[%swap3A, %swap3A_50] : memref<64x1xf32, #tpu.memory_space<vmem>>, vector<64x1xf32>
    tpu.vector_store %arg7[%swap3A, %swap3A_50], %add3A_49 {strides = array<i32>} : memref<64x1xf32, #tpu.memory_space<vmem>>, vector<64x1xf32>,
    return
  }
}

</mosaic_0001>

<sc_bundles>
// kernel: kernel.12.cloned.1.call-start
scs
__scs_entry_jumppad:
0x0: {  	(pc) =	sbr.rel $0x88, $3  }
0x1: {  	(tag) =	ssettag $0x0;
	lr =	simm.s32 $0x1  }
0x2: {  	[smem:$0x3F98] =	sst lr;
	_ =	strace $0xD0000000  }
0x3: {  	_ = 	snop  }
0x4: {  	_ = 	snop  }
0x5: {  	_ = 	snop  }
0x6: {  	_ = 	snop  }
0x7: {  	_ = 	snop  }
__scs_overlays_trampoline_lowered:
0x8: {  	[smem:$0x3FA7] =	sst s0  }
0x9: {  	[smem:$0x3FA8] =	sst s1  }
0xa: {  	[smem:$0x3FA9] =	sst s2  }
0xb: {  	[smem:$0x3FAA] =	sst s3  }
0xc: {  	[smem:$0x3FAB] =	sst s4  }
0xd: {  	[smem:$0x3FAC] =	sst s5  }
0xe: {  	[smem:$0x3FAD] =	sst s6  }
0xf: {  	[smem:$0x3FAE] =	sst s7  }
0x10: {  	[smem:$0x3FAF] =	sst s8  }
0x11: {  	[smem:$0x3FB0] =	sst s9;
	s0 =	simm.s32 @!p0 $0x0  }
0x12: {  	s1 =	sld [smem:$0x3F96];
	s0 =	simm.s32 @p0 $0x1  }
0x13: {  	[smem:$0x3FB1] =	sst s0;
	s0 =	simm.s32 @!p1 $0x0  }
0x14: {  	s2 =	sld [smem:$0x3F95];
	s0 =	simm.s32 @p1 $0x1  }
0x15: {  	[smem:$0x3FB2] =	sst s0;
	s0 =	simm.s32 @!p2 $0x0  }
0x16: {  	s3 =	sld [smem:$0x3FDB];
	s0 =	simm.s32 @p2 $0x1  }
0x17: {  	s4 =	simm.s32 $0x1BF5;
	[smem:$0x3FB4] =	sst s0  }
0x18: {  	s0 =	sld [smem:$0x3F97];
	_ =	swait.ge [sflag:s4], $0x0  }
0x19: {  	s7 =	sld [smem:$0x3F98]  }
0x1a: {  	s8 =	sadd.s32 $0xFFFFE003, lr  }
0x1b: {  	s9 =	sadd.s32 $0xFFFFFEF7, lr;
	s5 =	simm.s32 $0xFFFFFFFF;
	p2 =	slt.u32 s8, $0xFFFFF086  }
0x1c: {  	p1 =	slt.u32 s9, $0xF7A;
	s5 =	simm.s32 @!p2 $0x0  }
0x1d: {  	s5 =	simm.s32 @p1 $0x1;
	p0 =	seq.s32 s7, s2  }
0x1e: {  	s7 =	smul.u32 @!p0 $0xF7A, s2;
	p2 =	seq.s32 @!p0 s5, $0x0  }
0x1f: {  	s9 =	smul.u32 $0xF7A, s1;
	s8 =	simm.s32 @!p0 $0x1BF5;
	p2 =	por !p2, p0  }
0x20: {  	[sflag:s8] =	ssyncset.s32 @!p0 $0xFFFFF086;
	s6 =	sadd.s32 @!p0 s3, s7;
	s7 =	simm.s32 @!p0 $0x108  }
0x21: {  	s3 =	sadd.s32 s3, s9;
	s6 =	sadd.s32 @!p0 $0x88, s6;
	s7 =	simm.s32 @p2 $0x1082  }
0x22: {  	[simem:s7], [sflag:s8] =	dma.local @!p0 [hbm:s6], $0xF7A  }
0x23: {  	s9 =	sor.u32 $0xD0000000, s2;
	s6 =	simm.s32 $0x108;
	_ =	swait.ge @!p0 [sflag:s8], $0x0  }
0x24: {  	s3 =	sadd.s32 $0x88, s3;
	s6 =	simm.s32 @!p1 $0x1082;
	[sflag:s4] =	ssyncset.s32 $0xFFFFF086  }
0x25: {  	[simem:s6], [sflag:s4] =	dma.local [hbm:s3], $0xF7A  }
0x26: {  	[smem:$0x3F98] =	sst s1;
	(tag) =	ssettag s2;
	_ =	strace s9  }
0x27: {  	s1 =	sld [smem:$0x3FA8]  }
0x28: {  	s2 =	sld [smem:$0x3FA9]  }
0x29: {  	s4 =	sld [smem:$0x3FAB]  }
0x2a: {  	p0 =	seq.s32 s5, $0x0;
	s5 =	sld [smem:$0x3FAC]  }
0x2b: {  	s6 =	sld [smem:$0x3FAD]  }
0x2c: {  	s7 =	sld [smem:$0x3FAE]  }
0x2d: {  	s3 =	simm.s32 $0x108;
	s8 =	sld [smem:$0x3FAF]  }
0x2e: {  	s3 =	simm.s32 @!p0 $0x1082;
	s9 =	sld [smem:$0x3FB0]  }
0x2f: {  	lr =	sadd.s32 s0, s3;
	s0 =	sld [smem:$0x3FA7]  }
0x30: {  	s3 =	sld [smem:$0x3FAA]  }
0x31: {  	[smem:$0x3FB3] =	sst s10  }
0x32: {  	s10 =	sld [smem:$0x3FB1];
	_ =	sdelay $0x3  }
0x33: {  	p0 =	seq.s32 s10, $0x1;
	s10 =	sld [smem:$0x3FB3];
	_ =	sdelay $0x3  }
0x34: {  	[smem:$0x3FB3] =	sst s10  }
0x35: {  	s10 =	sld [smem:$0x3FB2];
	_ =	sdelay $0x3  }
0x36: {  	p1 =	seq.s32 s10, $0x1;
	s10 =	sld [smem:$0x3FB3];
	_ =	sdelay $0x3  }
0x37: {  	[smem:$0x3FB3] =	sst s10  }
0x38: {  	s10 =	sld [smem:$0x3FB4]  }
0x39: {  	_ = 	snop;
	(pc) =	sbr.ind lr, $3  }
0x3a: {  	_ = 	snop  }
0x3b: {  	_ = 	snop  }
0x3c: {  	p2 =	seq.s32 s10, $0x1;
	s10 =	sld [smem:$0x3FB3]  }
0x3d: {  	_ =	shalt  }
0x3e: {  	_ =	shalt  }
0x3f: {  	_ =	shalt  }
0x40: {  	_ =	shalt  }
0x41: {  	_ =	shalt  }
0x42: {  	_ =	shalt  }
0x43: {  	_ =	shalt  }
0x44: {  	_ =	shalt  }
0x45: {  	_ =	shalt  }
0x46: {  	_ =	shalt  }
0x47: {  	_ =	shalt  }
0x48: {  	_ =	shalt  }
0x49: {  	_ =	shalt  }
0x4a: {  	_ =	shalt  }
0x4b: {  	_ =	shalt  }
0x4c: {  	_ =	shalt  }
0x4d: {  	_ =	shalt  }
0x4e: {  	_ =	shalt  }
0x4f: {  	_ =	shalt  }
0x50: {  	_ =	shalt  }
0x51: {  	_ =	shalt  }
0x52: {  	_ =	shalt  }
0x53: {  	_ =	shalt  }
0x54: {  	_ =	shalt  }
0x55: {  	_ =	shalt  }
0x56: {  	_ =	shalt  }
0x57: {  	_ =	shalt  }
0x58: {  	_ =	shalt  }
0x59: {  	_ =	shalt  }
0x5a: {  	_ =	shalt  }
0x5b: {  	_ =	shalt  }
0x5c: {  	_ =	shalt  }
0x5d: {  	_ =	shalt  }
0x5e: {  	_ =	shalt  }
0x5f: {  	_ =	shalt  }
0x60: {  	_ =	shalt  }
0x61: {  	_ =	shalt  }
0x62: {  	_ =	shalt  }
0x63: {  	_ =	shalt  }
0x64: {  	_ =	shalt  }
0x65: {  	_ =	shalt  }
0x66: {  	_ =	shalt  }
0x67: {  	_ =	shalt  }
0x68: {  	_ =	shalt  }
0x69: {  	_ =	shalt  }
0x6a: {  	_ =	shalt  }
0x6b: {  	_ =	shalt  }
0x6c: {  	_ =	shalt  }
0x6d: {  	_ =	shalt  }
0x6e: {  	_ =	shalt  }
0x6f: {  	_ =	shalt  }
0x70: {  	_ =	shalt  }
0x71: {  	_ =	shalt  }
0x72: {  	_ =	shalt  }
0x73: {  	_ =	shalt  }
0x74: {  	_ =	shalt  }
0x75: {  	_ =	shalt  }
0x76: {  	_ =	shalt  }
0x77: {  	_ =	shalt  }
0x78: {  	_ =	shalt  }
0x79: {  	_ =	shalt  }
0x7a: {  	_ =	shalt  }
0x7b: {  	_ =	shalt  }
0x7c: {  	_ =	shalt  }
0x7d: {  	_ =	shalt  }
0x7e: {  	_ =	shalt  }
0x7f: {  	_ =	shalt  }
0x80: {  	_ =	shalt  }
0x81: {  	_ =	shalt  }
0x82: {  	_ =	shalt  }
0x83: {  	_ =	shalt  }
0x84: {  	_ =	shalt  }
0x85: {  	_ =	shalt  }
0x86: {  	_ =	shalt  }
0x87: {  	_ =	shalt  }
.Lfunc_end0:
.L_simem_size_0:
called_computation.1_lowered:
.L_overlay_start_0:
0x88: {  	s2 =	sld [smem:$0x3FD9]  }
0x89: {  	s3 =	sld [smem:$0x3FFE];
	_ =	sdelay $0x1  }
0x8a: {  	s1 =	srdreg.scid  }
0x8b: {  	s0 =	sand.u32 $0x1, s1  }
0x8c: {  	s16 =	sshll.u32 s0, $0xA;
	s2 =	sadd.s32 s3, s2  }
0x8d: {  	s2 =	sadd.s32 s2, s16  }
0x8e: {  	[smem:$0x3FBF] =	sst s2  }
0x8f: {  	_ = 	snop  }
0x90: {  	(tm) =	ssettm $0x1  }
0x91: {  	s17 =	sld [smem:$0x3FFB];
	_ =	sdelay $0x3  }
0x92: {  	_ =	strace s17  }
0x93: {  	s2 =	sld [smem:$0x3FFC];
	_ =	sdelay $0x3  }
0x94: {  	_ =	strace s2  }
0x95: {  	s2 =	sld [smem:$0x3FFD];
	_ =	sdelay $0x3  }
0x96: {  	_ =	strace s2  }
0x97: {  	_ =	strace $0x8FFFFFFF  }
0x98: {  	s18 =	sld [smem:$0x3FDB];
	_ =	sdelay $0x1  }
0x99: {  	s19 =	simm.s32 $_scs_section_size  }
0x9a: {  	s4 =	simm.s32 $_size__tile_overlayer_lowered;
	s5 =	simm.s32 $_tile_overlayer_lowered  }
0x9b: {  	s22 =	simm.s32 $0x1BFF;
	s21 =	sshll.u32 s5, $0x1;
	s2 =	sadd.s32 s19, s18  }
0x9c: {  	s6 =	simm.s32 $0x0;
	s20 =	sshll.u32 s4, $0x1;
	s4 =	sadd.s32 s21, s2  }
0x9d: {  	[timem:s6], [sflag:s22] =	dma.local [hbm:s4], s20  }
0x9e: {  	_ =	swait.ge [sflag:s22], s20  }
0x9f: {  	s3 =	ssub.s32 $0x0, s20;
	[sflag:s22] =	ssyncset.done $0x0  }
0xa0: {  	[sflag:s22] =	ssyncadd.s32 s3;
	_ =	sdelay $0x1  }
0xa1: {  	s23 =	simm.s32 $0x1B8B  }
0xa2: {  	_ =	swait.ge [sflag:s23], $0x1  }
0xa3: {  	[sflag:s23] =	ssyncset.done $0x0  }
0xa4: {  	s25 =	simm.s32 $0x1B8E;
	s24 =	sld [smem:$0x3FFE];
	[sflag:s23] =	ssyncadd.s32 $0xFFFFFFFF  }
0xa5: {  	s26 =	simm.s32 $execute0_lowered;
	[smem:$0x3FD2] =	sst s25  }
0xa6: {  	s4 =	sshll.u32 s26, $0x1;
	_ =	strace $0x80000049;
	[dreg:$0x1] =	wrdreg $0xFFFFFFFF  }
0xa7: {  	s28 =	simm.s32 $_size_execute0_lowered;
	s2 =	sadd.s32 s2, s4;
	[dreg:$0x0] =	wrdreg $0x0  }
0xa8: {  	s4 =	sshll.u32 s28, $0x1;
	[dreg:$0x2] =	wrdreg s2  }
0xa9: {  	[dreg:$0x3] =	wrdreg s4  }
0xaa: {  	[dreg:$0x4] =	wrdreg $0xC0  }
0xab: {  	_ =	task [dreg:s6], $0x5FFFF  }
0xac: {  	[dreg:$0x1] =	wrdreg $0xFFFFFFFF  }
0xad: {  	[dreg:$0x0] =	wrdreg $0x60  }
0xae: {  	[dreg:$0x2] =	wrdreg s24  }
0xaf: {  	[dreg:$0x3] =	wrdreg $0x0  }
0xb0: {  	[dreg:$0x4] =	wrdreg $0x9  }
0xb1: {  	_ =	task.clear_ibuf [dreg:s6], $0x5FFFF;
	_ =	strace $0x90000049  }
0xb2: {  	s29 =	simm.s32 $0x9;
	_ =	strace $0x8000004B  }
0xb3: {  	_ =	swait.ge [sflag:s29], $0x1  }
0xb4: {  	[sflag:s29] =	ssyncadd.s32 $0xFFFFFFFF  }
0xb5: {  	_ =	strace $0x9000004B  }
0xb6: {  	_ =	sfence  }
0xb7: {  	s30 =	sld [smem:$0x0];
	_ =	sdelay $0x2  }
0xb8: {  	s31 =	sshll.u32 s1, $0xD;
	s1 =	sshrl.u32 s1, $0x2  }
0xb9: {  	s3 =	sand.u32 $0x4000, s31;
	s1 =	sadd.s32 s1, s30  }
0xba: {  	s0 =	sor.u32 s3, s0;
	s1 =	sshll.u32 s1, $0x11  }
0xbb: {  	s0 =	sor.u32 s1, s0  }
0xbc: {  	s0 =	sadd.s32 $0x8F2B, s0  }
0xbd: {  	[sflag:s0] =	ssyncadd.remote.s32 $0x1  }
0xbe: {  	_ =	sfence.sel $0xFFFF  }
0xbf: {  	[dreg:$0x0] =	wrdreg $0xFFFFFFFF;
	(pc) =	sbr.abs _section_cstart, $3  }
0xc0: {  	[dreg:$0x1] =	wrdreg $0xFFFFFFFF  }
0xc1: {  	_ =	task.clear_ibuf [dreg:s6], $0x2FFFF;
	_ =	strace $0x9FFFFFFF  }
0xc2: {  	(tm) =	ssettm $0x7FFFFFFF  }
0xc3: {  	_ =	shalt  }
tec
execute0_lowered:
.L_overlay_start_1:
0x0: {  	(tag) =	ssettag $0x1  }
0x1: {  	s5 =	rddreg [dreg:$0x0]  }
0x2: {  	s0 =	srdreg.scid;
	s2 =	rddreg [dreg:$0x1]  }
0x3: {  	s1 =	stileid.u32;
	s3 =	simm.s32 $0x0;
	s17 =	simm.s32 $0x3  }
0x4: {  	s18 =	simm.s32 $0x13C00;
	s19 =	simm.s32 $0x15000;
	s20 =	simm.s32 $0x80  }
0x5: {  	s21 =	simm.s32 $0x1;
	s22 =	simm.s32 $0x1A400;
	s23 =	simm.s32 $0x2  }
0x6: {  	s24 =	simm.s32 $0x14F80;
	s25 =	simm.s32 $0x16300;
	s26 =	simm.s32 $0x16380  }
0x7: {  	s6 =	sand.u32 $0x1, s0;
	s0 =	rddreg [dreg:$0x2];
	s7 =	smul.u32 $0x13C00, s1  }
0x8: {  	[smem:$0x7FF] =	sst s3;
	s8 =	smul.u32 $0x4F000, s1;
	s14 =	sadd.s32 $0x34000, s5  }
0x9: {  	s15 =	sadd.s32 $0x2800, s5;
	s30 =	sshll.u32 s1, $0x1;
	s4 =	smul.u32 $0x13C000, s6  }
0xa: {  	_ =	strace $0x8000004A;
	s9 =	ssub.s32 $0x2, s6;
	s11 =	sor.u32 s6, s30  }
0xb: {  	s8 =	sshrl.u32 s8, $0x2;
	s10 =	sshrl.u32 s9, $0x1;
	s13 =	smul.u32 $0x500, s11  }
0xc: {  	s7 =	sadd.s32 s7, s4;
	s4 =	sadd.s32 $0xC800, s5;
	s31 =	ssub.s32 s9, s10  }
0xd: {  	s7 =	sshrl.u32 s7, $0x3;
	s16 =	sadd.s32 $0x280, s13;
	s12 =	sadd.s32 s14, s13  }
0xe: {  	s13 =	sadd.s32 s15, s13;
	s7 =	sadd.s32 s7, s5;
	s5 =	sadd.s32 s8, s2  }
0xf: {  	s8 =	smax.u32 s31, $0x1;
	s14 =	sadd.s32 s14, s16;
	s15 =	sadd.s32 s15, s16  }
0x10: {  	s16 =	simm.s32 $0x16400;
	s6 =	sadd.s32 $0x10000, s5;
	s7 =	sadd.s32 $0x3E000, s7  }
0x11: {  	v0 =	vimm.f32 $0.0e+00;
	s9 =	sadd.s32 $0x4000, s5;
	s10 =	sadd.s32 $0x8000, s5;
	s11 =	sadd.s32 $0xC000, s5  }
.LBB2_1:
0x12: {  	s28 =	simm.s32 $0x0;
	s29 =	simm.s32 $0x200  }
.LBB2_2:
0x13: {  	p0 =	sne.s32 s29, $0xFE00;
	[tilespmem:s28+$0x16470] =	vst v0  }
0x14: {  	[tilespmem:s28+$0x16400] =	vst v0  }
0x15: {  	[tilespmem:s28+$0x16410] =	vst v0  }
.Ltmp0:
0x16: {  	[tilespmem:s28+$0x16420] =	vst v0;
	(pc) =	sbr.rel @p0 .LBB2_2-.Ltmp0, $4  }
0x17: {  	[tilespmem:s28+$0x16430] =	vst v0  }
0x18: {  	[tilespmem:s28+$0x16440] =	vst v0  }
0x19: {  	[tilespmem:s28+$0x16450] =	vst v0  }
0x1a: {  	[tilespmem:s28+$0x16460] =	vst v0;
	s28 =	sshra.s32 s29, $0x2;
	s29 =	sadd.s32 $0x200, s29  }
0x1b: {  	[tilespmem:s28+$0x16470] =	vst v0  }
0x1c: {  	[tilespmem:s28+$0x16400] =	vst v0  }
0x1d: {  	[tilespmem:s28+$0x16410] =	vst v0  }
0x1e: {  	[tilespmem:s28+$0x16420] =	vst v0  }
0x1f: {  	[tilespmem:s28+$0x16430] =	vst v0  }
0x20: {  	[tilespmem:s28+$0x16440] =	vst v0  }
0x21: {  	[tilespmem:s28+$0x16450] =	vst v0  }
0x22: {  	[tilespmem:s28+$0x16460] =	vst v0  }
0x23: {  	[spmem:s5] =	stream.linear.scatter [tilespmem:s16], [sflag:$0x3], $0x4000, $0x38;
	[tilespmem:$0x1E400] =	vst v63  }
0x24: {  	_ =	swait.ge [sflag:s17], $0x4000  }
0x25: {  	[sflag:s17] =	ssyncset.done $0x0  }
0x26: {  	[sflag:s17] =	ssyncadd.s32 $0xFFFFC000  }
0x27: {  	[spmem:s9] =	stream.linear.scatter [tilespmem:s16], [sflag:$0x3], $0x4000, $0x38;
	[tilespmem:$0x1E400] =	vst v63  }
0x28: {  	_ =	swait.ge [sflag:s17], $0x4000  }
0x29: {  	[sflag:s17] =	ssyncset.done $0x0  }
0x2a: {  	[sflag:s17] =	ssyncadd.s32 $0xFFFFC000  }
0x2b: {  	[spmem:s10] =	stream.linear.scatter [tilespmem:s16], [sflag:$0x3], $0x4000, $0x38;
	[tilespmem:$0x1E400] =	vst v63  }
0x2c: {  	_ =	swait.ge [sflag:s17], $0x4000  }
0x2d: {  	[sflag:s17] =	ssyncset.done $0x0  }
0x2e: {  	[sflag:s17] =	ssyncadd.s32 $0xFFFFC000  }
0x2f: {  	[spmem:s11] =	stream.linear.scatter [tilespmem:s16], [sflag:$0x3], $0x4000, $0x38;
	[tilespmem:$0x1E400] =	vst v63  }
0x30: {  	_ =	swait.ge [sflag:s17], $0x4000  }
0x31: {  	[sflag:s17] =	ssyncset.done $0x0  }
0x32: {  	[sflag:s17] =	ssyncadd.s32 $0xFFFFC000  }
0x33: {  	[spmem:s6] =	stream.linear.scatter [tilespmem:s16], [sflag:$0x3], $0x3C00, $0x38;
	[tilespmem:$0x1E400] =	vst v63  }
0x34: {  	_ =	swait.ge [sflag:s17], $0x3C00  }
0x35: {  	[sflag:s17] =	ssyncset.done $0x0  }
0x36: {  	[sflag:s17] =	ssyncadd.s32 $0xFFFFC400  }
0x37: {  	s28 =	simm.s32 $0x0;
	[bflag:$0x0] =	sbarrier.arrive $0xFFFF  }
0x38: {  	[tilespmem:s18], [sflag:$0x3] =	stream.linear.gather [hbm4b:s12+s28], $0x1400, $0x38;
	[tilespmem:$0x1E400] =	vst v63  }
0x39: {  	_ =	swait.ge [sflag:s17], $0x1400  }
0x3a: {  	[sflag:s17] =	ssyncset.done $0x0  }
0x3b: {  	[sflag:s17] =	ssyncadd.s32 $0xFFFFEC00  }
0x3c: {  	[tilespmem:s19], [sflag:$0x3] =	stream.linear.gather [hbm4b:s13+s28], $0x1400, $0x38;
	[tilespmem:$0x1E400] =	vst v63  }
0x3d: {  	_ =	swait.ge [sflag:s17], $0x1400  }
0x3e: {  	[sflag:s17] =	ssyncset.done $0x0  }
0x3f: {  	[sflag:s17] =	ssyncadd.s32 $0xFFFFEC00  }
0x40: {  	[tilespmem:s16], [sflag:$0x1] =	stream.indirect.gather [hbm4b:s4+s20], $0x80, s18, s20, $0xb8;
	[tilespmem:$0x1E400] =	vst v63  }
0x41: {  	_ =	swait.ge [sflag:s21], $0x4000  }
0x42: {  	[sflag:s21] =	ssyncset.done $0x0  }
0x43: {  	s28 =	simm.s32 $0x13C80;
	[sflag:s21] =	ssyncadd.s32 $0xFFFFC000  }
0x44: {  	[tilespmem:s22], [sflag:$0x2] =	stream.indirect.gather [hbm4b:s4+s20], $0x80, s28, s20, $0xb8;
	[tilespmem:$0x1E400] =	vst v63  }
0x45: {  	s28 =	simm.s32 $0x15000  }
0x46: {  	[spmem:s2] =	stream.indirect.scatter.add.f32 [tilespmem:s16], [sflag:$0x3], $0x80, s28, s20, $0xb8;
	[tilespmem:$0x1E400] =	vst v63  }
0x47: {  	_ =	swait.ge [sflag:s17], $0x4000  }
0x48: {  	[sflag:s17] =	ssyncset.done $0x0  }
0x49: {  	[sflag:s17] =	ssyncadd.s32 $0xFFFFC000  }
0x4a: {  	_ =	swait.ge [sflag:s23], $0x4000  }
0x4b: {  	[sflag:s23] =	ssyncset.done $0x0  }
0x4c: {  	s28 =	simm.s32 $0x13D00;
	[sflag:s23] =	ssyncadd.s32 $0xFFFFC000  }
0x4d: {  	[tilespmem:s16], [sflag:$0x1] =	stream.indirect.gather [hbm4b:s4+s20], $0x80, s28, s20, $0xb8;
	[tilespmem:$0x1E400] =	vst v63  }
0x4e: {  	s28 =	simm.s32 $0x15080  }
0x4f: {  	[spmem:s2] =	stream.indirect.scatter.add.f32 [tilespmem:s22], [sflag:$0x3], $0x80, s28, s20, $0xb8;
	[tilespmem:$0x1E400] =	vst v63  }
0x50: {  	_ =	swait.ge [sflag:s17], $0x4000  }
0x51: {  	s28 =	simm.s32 $0x400;
	[sflag:s17] =	ssyncset.done $0x0  }
.LBB2_4:
0x52: {  	p0 =	sne.s32 s28, $0x4800  }
0x53: {  	[sflag:s17] =	ssyncadd.s32 $0xFFFFC000;
	s29 =	smov.u32 s28;
	s28 =	sadd.s32 $0x400, s28  }
0x54: {  	_ = 	snop  }
0x55: {  	_ =	swait.ge [sflag:s21], $0x4000  }
0x56: {  	s29 =	sshra.s32 s29, $0x2;
	[sflag:s21] =	ssyncset.done $0x0  }
0x57: {  	s30 =	sadd.s32 $0x13C80, s29;
	[sflag:s21] =	ssyncadd.s32 $0xFFFFC000  }
0x58: {  	[tilespmem:s22], [sflag:$0x2] =	stream.indirect.gather [hbm4b:s4+s20], $0x80, s30, s20, $0xb8;
	[tilespmem:$0x1E400] =	vst v63  }
0x59: {  	s30 =	sadd.s32 $0x15000, s29  }
0x5a: {  	[spmem:s2] =	stream.indirect.scatter.add.f32 [tilespmem:s16], [sflag:$0x3], $0x80, s30, s20, $0xb8;
	[tilespmem:$0x1E400] =	vst v63  }
0x5b: {  	_ =	swait.ge [sflag:s17], $0x4000  }
0x5c: {  	[sflag:s17] =	ssyncset.done $0x0  }
0x5d: {  	[sflag:s17] =	ssyncadd.s32 $0xFFFFC000  }
0x5e: {  	_ =	swait.ge [sflag:s23], $0x4000  }
0x5f: {  	[sflag:s23] =	ssyncset.done $0x0  }
0x60: {  	s30 =	sadd.s32 $0x13D00, s29;
	[sflag:s23] =	ssyncadd.s32 $0xFFFFC000  }
0x61: {  	[tilespmem:s16], [sflag:$0x1] =	stream.indirect.gather [hbm4b:s4+s20], $0x80, s30, s20, $0xb8;
	[tilespmem:$0x1E400] =	vst v63  }
.Ltmp1:
0x62: {  	_ = 	snop;
	(pc) =	sbr.rel @p0 .LBB2_4-.Ltmp1, $4  }
0x63: {  	s29 =	sadd.s32 $0x15080, s29  }
0x64: {  	[spmem:s2] =	stream.indirect.scatter.add.f32 [tilespmem:s22], [sflag:$0x3], $0x80, s29, s20, $0xb8;
	[tilespmem:$0x1E400] =	vst v63  }
0x65: {  	_ =	swait.ge [sflag:s17], $0x4000  }
0x66: {  	[sflag:s17] =	ssyncset.done $0x0  }
0x67: {  	[sflag:s17] =	ssyncadd.s32 $0xFFFFC000  }
0x68: {  	_ =	swait.ge [sflag:s21], $0x4000  }
0x69: {  	[sflag:s21] =	ssyncset.done $0x0  }
0x6a: {  	[sflag:s21] =	ssyncadd.s32 $0xFFFFC000  }
0x6b: {  	[tilespmem:s22], [sflag:$0x2] =	stream.indirect.gather [hbm4b:s4+s20], $0x80, s24, s20, $0xb8;
	[tilespmem:$0x1E400] =	vst v63  }
0x6c: {  	_ = 	snop  }
0x6d: {  	[spmem:s2] =	stream.indirect.scatter.add.f32 [tilespmem:s16], [sflag:$0x3], $0x80, s25, s20, $0xb8;
	[tilespmem:$0x1E400] =	vst v63  }
0x6e: {  	_ =	swait.ge [sflag:s17], $0x4000  }
0x6f: {  	[sflag:s17] =	ssyncset.done $0x0  }
0x70: {  	[sflag:s17] =	ssyncadd.s32 $0xFFFFC000  }
0x71: {  	_ =	swait.ge [sflag:s23], $0x4000  }
0x72: {  	[sflag:s23] =	ssyncset.done $0x0  }
0x73: {  	[sflag:s23] =	ssyncadd.s32 $0xFFFFC000  }
0x74: {  	[spmem:s2] =	stream.indirect.scatter.add.f32 [tilespmem:s22], [sflag:$0x3], $0x80, s26, s20, $0xb8;
	[tilespmem:$0x1E400] =	vst v63  }
0x75: {  	_ =	swait.ge [sflag:s17], $0x4000  }
0x76: {  	[sflag:s17] =	ssyncset.done $0x0  }
0x77: {  	s28 =	simm.s32 $0x0;
	[sflag:s17] =	ssyncadd.s32 $0xFFFFC000  }
0x78: {  	[tilespmem:s18], [sflag:$0x3] =	stream.linear.gather [hbm4b:s14+s28], $0x1400, $0x38;
	[tilespmem:$0x1E400] =	vst v63  }
0x79: {  	_ =	swait.ge [sflag:s17], $0x1400  }
0x7a: {  	[sflag:s17] =	ssyncset.done $0x0  }
0x7b: {  	[sflag:s17] =	ssyncadd.s32 $0xFFFFEC00  }
0x7c: {  	[tilespmem:s19], [sflag:$0x3] =	stream.linear.gather [hbm4b:s15+s28], $0x1400, $0x38;
	[tilespmem:$0x1E400] =	vst v63  }
0x7d: {  	_ =	swait.ge [sflag:s17], $0x1400  }
0x7e: {  	[sflag:s17] =	ssyncset.done $0x0  }
0x7f: {  	[sflag:s17] =	ssyncadd.s32 $0xFFFFEC00  }
0x80: {  	[tilespmem:s16], [sflag:$0x1] =	stream.indirect.gather [hbm4b:s4+s20], $0x80, s18, s20, $0xb8;
	[tilespmem:$0x1E400] =	vst v63  }
0x81: {  	_ =	swait.ge [sflag:s21], $0x4000  }
0x82: {  	[sflag:s21] =	ssyncset.done $0x0  }
0x83: {  	s28 =	simm.s32 $0x13C80;
	[sflag:s21] =	ssyncadd.s32 $0xFFFFC000  }
0x84: {  	[tilespmem:s22], [sflag:$0x2] =	stream.indirect.gather [hbm4b:s4+s20], $0x80, s28, s20, $0xb8;
	[tilespmem:$0x1E400] =	vst v63  }
0x85: {  	s28 =	simm.s32 $0x15000  }
0x86: {  	[spmem:s2] =	stream.indirect.scatter.add.f32 [tilespmem:s16], [sflag:$0x3], $0x80, s28, s20, $0xb8;
	[tilespmem:$0x1E400] =	vst v63  }
0x87: {  	_ =	swait.ge [sflag:s17], $0x4000  }
0x88: {  	[sflag:s17] =	ssyncset.done $0x0  }
0x89: {  	[sflag:s17] =	ssyncadd.s32 $0xFFFFC000  }
0x8a: {  	_ =	swait.ge [sflag:s23], $0x4000  }
0x8b: {  	[sflag:s23] =	ssyncset.done $0x0  }
0x8c: {  	s28 =	simm.s32 $0x13D00;
	[sflag:s23] =	ssyncadd.s32 $0xFFFFC000  }
0x8d: {  	[tilespmem:s16], [sflag:$0x1] =	stream.indirect.gather [hbm4b:s4+s20], $0x80, s28, s20, $0xb8;
	[tilespmem:$0x1E400] =	vst v63  }
0x8e: {  	s28 =	simm.s32 $0x15080  }
0x8f: {  	[spmem:s2] =	stream.indirect.scatter.add.f32 [tilespmem:s22], [sflag:$0x3], $0x80, s28, s20, $0xb8;
	[tilespmem:$0x1E400] =	vst v63  }
0x90: {  	_ =	swait.ge [sflag:s17], $0x4000  }
0x91: {  	s28 =	simm.s32 $0x400;
	[sflag:s17] =	ssyncset.done $0x0  }
.LBB2_6:
0x92: {  	p0 =	sne.s32 s28, $0x4800  }
0x93: {  	[sflag:s17] =	ssyncadd.s32 $0xFFFFC000;
	s29 =	smov.u32 s28;
	s28 =	sadd.s32 $0x400, s28  }
0x94: {  	_ = 	snop  }
0x95: {  	_ =	swait.ge [sflag:s21], $0x4000  }
0x96: {  	s29 =	sshra.s32 s29, $0x2;
	[sflag:s21] =	ssyncset.done $0x0  }
0x97: {  	s30 =	sadd.s32 $0x13C80, s29;
	[sflag:s21] =	ssyncadd.s32 $0xFFFFC000  }
0x98: {  	[tilespmem:s22], [sflag:$0x2] =	stream.indirect.gather [hbm4b:s4+s20], $0x80, s30, s20, $0xb8;
	[tilespmem:$0x1E400] =	vst v63  }
0x99: {  	s30 =	sadd.s32 $0x15000, s29  }
0x9a: {  	[spmem:s2] =	stream.indirect.scatter.add.f32 [tilespmem:s16], [sflag:$0x3], $0x80, s30, s20, $0xb8;
	[tilespmem:$0x1E400] =	vst v63  }
0x9b: {  	_ =	swait.ge [sflag:s17], $0x4000  }
0x9c: {  	[sflag:s17] =	ssyncset.done $0x0  }
0x9d: {  	[sflag:s17] =	ssyncadd.s32 $0xFFFFC000  }
0x9e: {  	_ =	swait.ge [sflag:s23], $0x4000  }
0x9f: {  	[sflag:s23] =	ssyncset.done $0x0  }
0xa0: {  	s30 =	sadd.s32 $0x13D00, s29;
	[sflag:s23] =	ssyncadd.s32 $0xFFFFC000  }
0xa1: {  	[tilespmem:s16], [sflag:$0x1] =	stream.indirect.gather [hbm4b:s4+s20], $0x80, s30, s20, $0xb8;
	[tilespmem:$0x1E400] =	vst v63  }
.Ltmp2:
0xa2: {  	_ = 	snop;
	(pc) =	sbr.rel @p0 .LBB2_6-.Ltmp2, $4  }
0xa3: {  	s29 =	sadd.s32 $0x15080, s29  }
0xa4: {  	[spmem:s2] =	stream.indirect.scatter.add.f32 [tilespmem:s22], [sflag:$0x3], $0x80, s29, s20, $0xb8;
	[tilespmem:$0x1E400] =	vst v63  }
0xa5: {  	_ =	swait.ge [sflag:s17], $0x4000  }
0xa6: {  	[sflag:s17] =	ssyncset.done $0x0  }
0xa7: {  	[sflag:s17] =	ssyncadd.s32 $0xFFFFC000  }
0xa8: {  	_ =	swait.ge [sflag:s21], $0x4000  }
0xa9: {  	[sflag:s21] =	ssyncset.done $0x0  }
0xaa: {  	[sflag:s21] =	ssyncadd.s32 $0xFFFFC000  }
0xab: {  	[tilespmem:s22], [sflag:$0x2] =	stream.indirect.gather [hbm4b:s4+s20], $0x80, s24, s20, $0xb8;
	[tilespmem:$0x1E400] =	vst v63  }
0xac: {  	_ = 	snop  }
0xad: {  	[spmem:s2] =	stream.indirect.scatter.add.f32 [tilespmem:s16], [sflag:$0x3], $0x80, s25, s20, $0xb8;
	[tilespmem:$0x1E400] =	vst v63  }
0xae: {  	_ =	swait.ge [sflag:s17], $0x4000  }
0xaf: {  	[sflag:s17] =	ssyncset.done $0x0  }
0xb0: {  	[sflag:s17] =	ssyncadd.s32 $0xFFFFC000  }
0xb1: {  	_ =	swait.ge [sflag:s23], $0x4000  }
0xb2: {  	[sflag:s23] =	ssyncset.done $0x0  }
0xb3: {  	[sflag:s23] =	ssyncadd.s32 $0xFFFFC000  }
0xb4: {  	[spmem:s2] =	stream.indirect.scatter.add.f32 [tilespmem:s22], [sflag:$0x3], $0x80, s26, s20, $0xb8;
	[tilespmem:$0x1E400] =	vst v63  }
0xb5: {  	_ =	swait.ge [sflag:s17], $0x4000  }
0xb6: {  	s28 =	sshll.u32 s1, $0x6;
	s3 =	sadd.s32 $0x1, s3;
	[sflag:s17] =	ssyncset.done $0x0  }
0xb7: {  	s29 =	sshrl.u32 s5, $0x3;
	p0 =	sne.s32 s3, s8;
	[sflag:s17] =	ssyncadd.s32 $0xFFFFC000  }
.Ltmp3:
0xb8: {  	s28 =	sor.u32 $0x1C03, s28;
	[bflag:$0x0] =	sbarrier.arrive $0xFFFF;
	(pc) =	sbr.rel @p0 .LBB2_1-.Ltmp3, $4  }
0xb9: {  	[hbm:s7], [sflag:s28] =	dma.local [spmem:s29], $0x2780  }
0xba: {  	_ =	swait.ge [sflag:s17], $0x2780  }
0xbb: {  	[sflag:s17] =	ssyncset.done $0x0  }
0xbc: {  	[sflag:s17] =	ssyncadd.s32 $0xFFFFD880  }
0xbd: {  	_ =	sfence.sel $0x180000  }
0xbe: {  	[bflag:$0x0] =	sbarrier.arrive $0xFFFF  }
0xbf: {  	p0 =	sne.s32 s1, $0x0;
	_ =	strace $0x9000004A  }
0xc0: {  	s0 =	sadd.s32 @!p0 $0x100000, s0;
	[bflag:$0x2] =	sbarrier.arrive $0xFFFF  }
0xc1: {  	[sflag:s0] =	ssyncadd.tile.s32 @!p0 $0x1;
	_ =	shalt  }
.Lfunc_end2:
_tile_overlayer_lowered:
.L_overlay_start_2:
0xc2: {  	(tag) =	ssettag $0x2  }
0xc3: {  	s0 =	rddreg [dreg:$0x0];
	s2 =	stileid.u32  }
0xc4: {  	s1 =	rddreg [dreg:$0x1];
	p0 =	sne.s32 s2, $0x0  }
0xc5: {  	s3 =	rddreg [dreg:$0x2];
	[bflag:$0x3] =	sbarrier.arrive $0xFFFF;
	s2 =	simm.s32 @!p0 $0x1C03  }
0xc6: {  	[timem:s3], [sflag:s2] =	dma.local @!p0 [hbm:s0], s1  }
0xc7: {  	s0 =	simm.s32 @!p0 $0x3  }
0xc8: {  	_ =	swait.ge @!p0 [sflag:s0], s1  }
0xc9: {  	s1 =	ssub.s32 @!p0 $0x0, s1;
	[sflag:s0] =	ssyncset.done @!p0 $0x0  }
0xca: {  	[sflag:s0] =	ssyncadd.s32 @!p0 s1  }
0xcb: {  	[bflag:$0x3] =	sbarrier.arrive $0xFFFF  }
0xcc: {  	_ =	shalt  }

// kernel: kernel.15.cloned.1.call-start
scs
__scs_entry_jumppad:
0x0: {  	(pc) =	sbr.rel $0x88, $3  }
0x1: {  	(tag) =	ssettag $0x0;
	lr =	simm.s32 $0x1  }
0x2: {  	[smem:$0x3F98] =	sst lr;
	_ =	strace $0xD0000000  }
0x3: {  	_ = 	snop  }
0x4: {  	_ = 	snop  }
0x5: {  	_ = 	snop  }
0x6: {  	_ = 	snop  }
0x7: {  	_ = 	snop  }
__scs_overlays_trampoline_lowered:
0x8: {  	[smem:$0x3FA7] =	sst s0  }
0x9: {  	[smem:$0x3FA8] =	sst s1  }
0xa: {  	[smem:$0x3FA9] =	sst s2  }
0xb: {  	[smem:$0x3FAA] =	sst s3  }
0xc: {  	[smem:$0x3FAB] =	sst s4  }
0xd: {  	[smem:$0x3FAC] =	sst s5  }
0xe: {  	[smem:$0x3FAD] =	sst s6  }
0xf: {  	[smem:$0x3FAE] =	sst s7  }
0x10: {  	[smem:$0x3FAF] =	sst s8  }
0x11: {  	[smem:$0x3FB0] =	sst s9;
	s0 =	simm.s32 @!p0 $0x0  }
0x12: {  	s1 =	sld [smem:$0x3F96];
	s0 =	simm.s32 @p0 $0x1  }
0x13: {  	[smem:$0x3FB1] =	sst s0;
	s0 =	simm.s32 @!p1 $0x0  }
0x14: {  	s2 =	sld [smem:$0x3F95];
	s0 =	simm.s32 @p1 $0x1  }
0x15: {  	[smem:$0x3FB2] =	sst s0;
	s0 =	simm.s32 @!p2 $0x0  }
0x16: {  	s3 =	sld [smem:$0x3FDB];
	s0 =	simm.s32 @p2 $0x1  }
0x17: {  	s4 =	simm.s32 $0x1BF5;
	[smem:$0x3FB4] =	sst s0  }
0x18: {  	s0 =	sld [smem:$0x3F97];
	_ =	swait.ge [sflag:s4], $0x0  }
0x19: {  	s7 =	sld [smem:$0x3F98]  }
0x1a: {  	s8 =	sadd.s32 $0xFFFFE003, lr  }
0x1b: {  	s9 =	sadd.s32 $0xFFFFFEF7, lr;
	s5 =	simm.s32 $0xFFFFFFFF;
	p2 =	slt.u32 s8, $0xFFFFF086  }
0x1c: {  	p1 =	slt.u32 s9, $0xF7A;
	s5 =	simm.s32 @!p2 $0x0  }
0x1d: {  	s5 =	simm.s32 @p1 $0x1;
	p0 =	seq.s32 s7, s2  }
0x1e: {  	s7 =	smul.u32 @!p0 $0xF7A, s2;
	p2 =	seq.s32 @!p0 s5, $0x0  }
0x1f: {  	s9 =	smul.u32 $0xF7A, s1;
	s8 =	simm.s32 @!p0 $0x1BF5;
	p2 =	por !p2, p0  }
0x20: {  	[sflag:s8] =	ssyncset.s32 @!p0 $0xFFFFF086;
	s6 =	sadd.s32 @!p0 s3, s7;
	s7 =	simm.s32 @!p0 $0x108  }
0x21: {  	s3 =	sadd.s32 s3, s9;
	s6 =	sadd.s32 @!p0 $0x88, s6;
	s7 =	simm.s32 @p2 $0x1082  }
0x22: {  	[simem:s7], [sflag:s8] =	dma.local @!p0 [hbm:s6], $0xF7A  }
0x23: {  	s9 =	sor.u32 $0xD0000000, s2;
	s6 =	simm.s32 $0x108;
	_ =	swait.ge @!p0 [sflag:s8], $0x0  }
0x24: {  	s3 =	sadd.s32 $0x88, s3;
	s6 =	simm.s32 @!p1 $0x1082;
	[sflag:s4] =	ssyncset.s32 $0xFFFFF086  }
0x25: {  	[simem:s6], [sflag:s4] =	dma.local [hbm:s3], $0xF7A  }
0x26: {  	[smem:$0x3F98] =	sst s1;
	(tag) =	ssettag s2;
	_ =	strace s9  }
0x27: {  	s1 =	sld [smem:$0x3FA8]  }
0x28: {  	s2 =	sld [smem:$0x3FA9]  }
0x29: {  	s4 =	sld [smem:$0x3FAB]  }
0x2a: {  	p0 =	seq.s32 s5, $0x0;
	s5 =	sld [smem:$0x3FAC]  }
0x2b: {  	s6 =	sld [smem:$0x3FAD]  }
0x2c: {  	s7 =	sld [smem:$0x3FAE]  }
0x2d: {  	s3 =	simm.s32 $0x108;
	s8 =	sld [smem:$0x3FAF]  }
0x2e: {  	s3 =	simm.s32 @!p0 $0x1082;
	s9 =	sld [smem:$0x3FB0]  }
0x2f: {  	lr =	sadd.s32 s0, s3;
	s0 =	sld [smem:$0x3FA7]  }
0x30: {  	s3 =	sld [smem:$0x3FAA]  }
0x31: {  	[smem:$0x3FB3] =	sst s10  }
0x32: {  	s10 =	sld [smem:$0x3FB1];
	_ =	sdelay $0x3  }
0x33: {  	p0 =	seq.s32 s10, $0x1;
	s10 =	sld [smem:$0x3FB3];
	_ =	sdelay $0x3  }
0x34: {  	[smem:$0x3FB3] =	sst s10  }
0x35: {  	s10 =	sld [smem:$0x3FB2];
	_ =	sdelay $0x3  }
0x36: {  	p1 =	seq.s32 s10, $0x1;
	s10 =	sld [smem:$0x3FB3];
	_ =	sdelay $0x3  }
0x37: {  	[smem:$0x3FB3] =	sst s10  }
0x38: {  	s10 =	sld [smem:$0x3FB4]  }
0x39: {  	_ = 	snop;
	(pc) =	sbr.ind lr, $3  }
0x3a: {  	_ = 	snop  }
0x3b: {  	_ = 	snop  }
0x3c: {  	p2 =	seq.s32 s10, $0x1;
	s10 =	sld [smem:$0x3FB3]  }
0x3d: {  	_ =	shalt  }
0x3e: {  	_ =	shalt  }
0x3f: {  	_ =	shalt  }
0x40: {  	_ =	shalt  }
0x41: {  	_ =	shalt  }
0x42: {  	_ =	shalt  }
0x43: {  	_ =	shalt  }
0x44: {  	_ =	shalt  }
0x45: {  	_ =	shalt  }
0x46: {  	_ =	shalt  }
0x47: {  	_ =	shalt  }
0x48: {  	_ =	shalt  }
0x49: {  	_ =	shalt  }
0x4a: {  	_ =	shalt  }
0x4b: {  	_ =	shalt  }
0x4c: {  	_ =	shalt  }
0x4d: {  	_ =	shalt  }
0x4e: {  	_ =	shalt  }
0x4f: {  	_ =	shalt  }
0x50: {  	_ =	shalt  }
0x51: {  	_ =	shalt  }
0x52: {  	_ =	shalt  }
0x53: {  	_ =	shalt  }
0x54: {  	_ =	shalt  }
0x55: {  	_ =	shalt  }
0x56: {  	_ =	shalt  }
0x57: {  	_ =	shalt  }
0x58: {  	_ =	shalt  }
0x59: {  	_ =	shalt  }
0x5a: {  	_ =	shalt  }
0x5b: {  	_ =	shalt  }
0x5c: {  	_ =	shalt  }
0x5d: {  	_ =	shalt  }
0x5e: {  	_ =	shalt  }
0x5f: {  	_ =	shalt  }
0x60: {  	_ =	shalt  }
0x61: {  	_ =	shalt  }
0x62: {  	_ =	shalt  }
0x63: {  	_ =	shalt  }
0x64: {  	_ =	shalt  }
0x65: {  	_ =	shalt  }
0x66: {  	_ =	shalt  }
0x67: {  	_ =	shalt  }
0x68: {  	_ =	shalt  }
0x69: {  	_ =	shalt  }
0x6a: {  	_ =	shalt  }
0x6b: {  	_ =	shalt  }
0x6c: {  	_ =	shalt  }
0x6d: {  	_ =	shalt  }
0x6e: {  	_ =	shalt  }
0x6f: {  	_ =	shalt  }
0x70: {  	_ =	shalt  }
0x71: {  	_ =	shalt  }
0x72: {  	_ =	shalt  }
0x73: {  	_ =	shalt  }
0x74: {  	_ =	shalt  }
0x75: {  	_ =	shalt  }
0x76: {  	_ =	shalt  }
0x77: {  	_ =	shalt  }
0x78: {  	_ =	shalt  }
0x79: {  	_ =	shalt  }
0x7a: {  	_ =	shalt  }
0x7b: {  	_ =	shalt  }
0x7c: {  	_ =	shalt  }
0x7d: {  	_ =	shalt  }
0x7e: {  	_ =	shalt  }
0x7f: {  	_ =	shalt  }
0x80: {  	_ =	shalt  }
0x81: {  	_ =	shalt  }
0x82: {  	_ =	shalt  }
0x83: {  	_ =	shalt  }
0x84: {  	_ =	shalt  }
0x85: {  	_ =	shalt  }
0x86: {  	_ =	shalt  }
0x87: {  	_ =	shalt  }
.Lfunc_end0:
.L_simem_size_0:
called_computation.2_lowered:
.L_overlay_start_0:
0x88: {  	s2 =	sld [smem:$0x3FD9]  }
0x89: {  	s3 =	sld [smem:$0x3FFE];
	_ =	sdelay $0x1  }
0x8a: {  	s1 =	srdreg.scid  }
0x8b: {  	s0 =	sand.u32 $0x1, s1  }
0x8c: {  	s16 =	sshll.u32 s0, $0xA;
	s2 =	sadd.s32 s3, s2  }
0x8d: {  	s2 =	sadd.s32 s2, s16  }
0x8e: {  	[smem:$0x3FBF] =	sst s2  }
0x8f: {  	_ = 	snop  }
0x90: {  	(tm) =	ssettm $0x1  }
0x91: {  	s17 =	sld [smem:$0x3FFB];
	_ =	sdelay $0x3  }
0x92: {  	_ =	strace s17  }
0x93: {  	s2 =	sld [smem:$0x3FFC];
	_ =	sdelay $0x3  }
0x94: {  	_ =	strace s2  }
0x95: {  	s2 =	sld [smem:$0x3FFD];
	_ =	sdelay $0x3  }
0x96: {  	_ =	strace s2  }
0x97: {  	_ =	strace $0x8FFFFFFF  }
0x98: {  	s18 =	sld [smem:$0x3FDB];
	_ =	sdelay $0x1  }
0x99: {  	s19 =	simm.s32 $_scs_section_size  }
0x9a: {  	s4 =	simm.s32 $_size__tile_overlayer_lowered;
	s5 =	simm.s32 $_tile_overlayer_lowered  }
0x9b: {  	s22 =	simm.s32 $0x1BFF;
	s21 =	sshll.u32 s5, $0x1;
	s2 =	sadd.s32 s19, s18  }
0x9c: {  	s6 =	simm.s32 $0x0;
	s20 =	sshll.u32 s4, $0x1;
	s4 =	sadd.s32 s21, s2  }
0x9d: {  	[timem:s6], [sflag:s22] =	dma.local [hbm:s4], s20  }
0x9e: {  	_ =	swait.ge [sflag:s22], s20  }
0x9f: {  	s3 =	ssub.s32 $0x0, s20;
	[sflag:s22] =	ssyncset.done $0x0  }
0xa0: {  	[sflag:s22] =	ssyncadd.s32 s3;
	_ =	sdelay $0x1  }
0xa1: {  	s23 =	simm.s32 $0x1B8B  }
0xa2: {  	_ =	swait.ge [sflag:s23], $0x1  }
0xa3: {  	[sflag:s23] =	ssyncset.done $0x0  }
0xa4: {  	s25 =	simm.s32 $0x1B8E;
	s24 =	sld [smem:$0x3FFE];
	[sflag:s23] =	ssyncadd.s32 $0xFFFFFFFF  }
0xa5: {  	s26 =	simm.s32 $execute0_lowered;
	[smem:$0x3FD2] =	sst s25  }
0xa6: {  	s4 =	sshll.u32 s26, $0x1;
	_ =	strace $0x8000004C;
	[dreg:$0x1] =	wrdreg $0xFFFFFFFF  }
0xa7: {  	s28 =	simm.s32 $_size_execute0_lowered;
	s2 =	sadd.s32 s2, s4;
	[dreg:$0x0] =	wrdreg $0x0  }
0xa8: {  	s4 =	sshll.u32 s28, $0x1;
	[dreg:$0x2] =	wrdreg s2  }
0xa9: {  	[dreg:$0x3] =	wrdreg s4  }
0xaa: {  	[dreg:$0x4] =	wrdreg $0xC0  }
0xab: {  	_ =	task [dreg:s6], $0x5FFFF  }
0xac: {  	[dreg:$0x1] =	wrdreg $0xFFFFFFFF  }
0xad: {  	[dreg:$0x0] =	wrdreg $0x60  }
0xae: {  	[dreg:$0x2] =	wrdreg s24  }
0xaf: {  	[dreg:$0x3] =	wrdreg $0x0  }
0xb0: {  	[dreg:$0x4] =	wrdreg $0x9  }
0xb1: {  	_ =	task.clear_ibuf [dreg:s6], $0x5FFFF;
	_ =	strace $0x9000004C  }
0xb2: {  	s29 =	simm.s32 $0x9;
	_ =	strace $0x8000004E  }
0xb3: {  	_ =	swait.ge [sflag:s29], $0x1  }
0xb4: {  	[sflag:s29] =	ssyncadd.s32 $0xFFFFFFFF  }
0xb5: {  	_ =	strace $0x9000004E  }
0xb6: {  	_ =	sfence  }
0xb7: {  	s30 =	sld [smem:$0x0];
	_ =	sdelay $0x2  }
0xb8: {  	s31 =	sshll.u32 s1, $0xD;
	s1 =	sshrl.u32 s1, $0x2  }
0xb9: {  	s3 =	sand.u32 $0x4000, s31;
	s1 =	sadd.s32 s1, s30  }
0xba: {  	s0 =	sor.u32 s3, s0;
	s1 =	sshll.u32 s1, $0x11  }
0xbb: {  	s0 =	sor.u32 s1, s0  }
0xbc: {  	s0 =	sadd.s32 $0x8F2B, s0  }
0xbd: {  	[sflag:s0] =	ssyncadd.remote.s32 $0x1  }
0xbe: {  	_ =	sfence.sel $0xFFFF  }
0xbf: {  	[dreg:$0x0] =	wrdreg $0xFFFFFFFF;
	(pc) =	sbr.abs _section_cstart, $3  }
0xc0: {  	[dreg:$0x1] =	wrdreg $0xFFFFFFFF  }
0xc1: {  	_ =	task.clear_ibuf [dreg:s6], $0x2FFFF;
	_ =	strace $0x9FFFFFFF  }
0xc2: {  	(tm) =	ssettm $0x7FFFFFFF  }
0xc3: {  	_ =	shalt  }
tec
execute0_lowered:
.L_overlay_start_1:
0x0: {  	(tag) =	ssettag $0x1  }
0x1: {  	s5 =	rddreg [dreg:$0x0]  }
0x2: {  	s0 =	srdreg.scid;
	s2 =	rddreg [dreg:$0x1]  }
0x3: {  	s1 =	stileid.u32;
	s3 =	simm.s32 $0x0;
	s17 =	simm.s32 $0x3  }
0x4: {  	s18 =	simm.s32 $0x13C00;
	s19 =	simm.s32 $0x15000;
	s20 =	simm.s32 $0x80  }
0x5: {  	s21 =	simm.s32 $0x1;
	s22 =	simm.s32 $0x1A400;
	s23 =	simm.s32 $0x2  }
0x6: {  	s24 =	simm.s32 $0x14F80;
	s25 =	simm.s32 $0x16300;
	s26 =	simm.s32 $0x16380  }
0x7: {  	s6 =	sand.u32 $0x1, s0;
	s0 =	rddreg [dreg:$0x2];
	s7 =	smul.u32 $0x13C00, s1  }
0x8: {  	[smem:$0x7FF] =	sst s3;
	s8 =	smul.u32 $0x4F000, s1;
	s14 =	sadd.s32 $0x34000, s5  }
0x9: {  	s15 =	sadd.s32 $0x2800, s5;
	s30 =	sshll.u32 s1, $0x1;
	s4 =	smul.u32 $0x13C000, s6  }
0xa: {  	_ =	strace $0x8000004D;
	s9 =	ssub.s32 $0x2, s6;
	s11 =	sor.u32 s6, s30  }
0xb: {  	s8 =	sshrl.u32 s8, $0x2;
	s10 =	sshrl.u32 s9, $0x1;
	s13 =	smul.u32 $0x500, s11  }
0xc: {  	s7 =	sadd.s32 s7, s4;
	s4 =	sadd.s32 $0xC800, s5;
	s31 =	ssub.s32 s9, s10  }
0xd: {  	s7 =	sshrl.u32 s7, $0x3;
	s16 =	sadd.s32 $0x280, s13;
	s12 =	sadd.s32 s14, s13  }
0xe: {  	s13 =	sadd.s32 s15, s13;
	s7 =	sadd.s32 s7, s5;
	s5 =	sadd.s32 s8, s2  }
0xf: {  	s8 =	smax.u32 s31, $0x1;
	s14 =	sadd.s32 s14, s16;
	s15 =	sadd.s32 s15, s16  }
0x10: {  	s16 =	simm.s32 $0x16400;
	s6 =	sadd.s32 $0x10000, s5;
	s7 =	sadd.s32 $0x3E000, s7  }
0x11: {  	v0 =	vimm.f32 $0.0e+00;
	s9 =	sadd.s32 $0x4000, s5;
	s10 =	sadd.s32 $0x8000, s5;
	s11 =	sadd.s32 $0xC000, s5  }
.LBB2_1:
0x12: {  	s28 =	simm.s32 $0x0;
	s29 =	simm.s32 $0x200  }
.LBB2_2:
0x13: {  	p0 =	sne.s32 s29, $0xFE00;
	[tilespmem:s28+$0x16470] =	vst v0  }
0x14: {  	[tilespmem:s28+$0x16400] =	vst v0  }
0x15: {  	[tilespmem:s28+$0x16410] =	vst v0  }
.Ltmp0:
0x16: {  	[tilespmem:s28+$0x16420] =	vst v0;
	(pc) =	sbr.rel @p0 .LBB2_2-.Ltmp0, $4  }
0x17: {  	[tilespmem:s28+$0x16430] =	vst v0  }
0x18: {  	[tilespmem:s28+$0x16440] =	vst v0  }
0x19: {  	[tilespmem:s28+$0x16450] =	vst v0  }
0x1a: {  	[tilespmem:s28+$0x16460] =	vst v0;
	s28 =	sshra.s32 s29, $0x2;
	s29 =	sadd.s32 $0x200, s29  }
0x1b: {  	[tilespmem:s28+$0x16470] =	vst v0  }
0x1c: {  	[tilespmem:s28+$0x16400] =	vst v0  }
0x1d: {  	[tilespmem:s28+$0x16410] =	vst v0  }
0x1e: {  	[tilespmem:s28+$0x16420] =	vst v0  }
0x1f: {  	[tilespmem:s28+$0x16430] =	vst v0  }
0x20: {  	[tilespmem:s28+$0x16440] =	vst v0  }
0x21: {  	[tilespmem:s28+$0x16450] =	vst v0  }
0x22: {  	[tilespmem:s28+$0x16460] =	vst v0  }
0x23: {  	[spmem:s5] =	stream.linear.scatter [tilespmem:s16], [sflag:$0x3], $0x4000, $0x38;
	[tilespmem:$0x1E400] =	vst v63  }
0x24: {  	_ =	swait.ge [sflag:s17], $0x4000  }
0x25: {  	[sflag:s17] =	ssyncset.done $0x0  }
0x26: {  	[sflag:s17] =	ssyncadd.s32 $0xFFFFC000  }
0x27: {  	[spmem:s9] =	stream.linear.scatter [tilespmem:s16], [sflag:$0x3], $0x4000, $0x38;
	[tilespmem:$0x1E400] =	vst v63  }
0x28: {  	_ =	swait.ge [sflag:s17], $0x4000  }
0x29: {  	[sflag:s17] =	ssyncset.done $0x0  }
0x2a: {  	[sflag:s17] =	ssyncadd.s32 $0xFFFFC000  }
0x2b: {  	[spmem:s10] =	stream.linear.scatter [tilespmem:s16], [sflag:$0x3], $0x4000, $0x38;
	[tilespmem:$0x1E400] =	vst v63  }
0x2c: {  	_ =	swait.ge [sflag:s17], $0x4000  }
0x2d: {  	[sflag:s17] =	ssyncset.done $0x0  }
0x2e: {  	[sflag:s17] =	ssyncadd.s32 $0xFFFFC000  }
0x2f: {  	[spmem:s11] =	stream.linear.scatter [tilespmem:s16], [sflag:$0x3], $0x4000, $0x38;
	[tilespmem:$0x1E400] =	vst v63  }
0x30: {  	_ =	swait.ge [sflag:s17], $0x4000  }
0x31: {  	[sflag:s17] =	ssyncset.done $0x0  }
0x32: {  	[sflag:s17] =	ssyncadd.s32 $0xFFFFC000  }
0x33: {  	[spmem:s6] =	stream.linear.scatter [tilespmem:s16], [sflag:$0x3], $0x3C00, $0x38;
	[tilespmem:$0x1E400] =	vst v63  }
0x34: {  	_ =	swait.ge [sflag:s17], $0x3C00  }
0x35: {  	[sflag:s17] =	ssyncset.done $0x0  }
0x36: {  	[sflag:s17] =	ssyncadd.s32 $0xFFFFC400  }
0x37: {  	s28 =	simm.s32 $0x0;
	[bflag:$0x0] =	sbarrier.arrive $0xFFFF  }
0x38: {  	[tilespmem:s18], [sflag:$0x3] =	stream.linear.gather [hbm4b:s12+s28], $0x1400, $0x38;
	[tilespmem:$0x1E400] =	vst v63  }
0x39: {  	_ =	swait.ge [sflag:s17], $0x1400  }
0x3a: {  	[sflag:s17] =	ssyncset.done $0x0  }
0x3b: {  	[sflag:s17] =	ssyncadd.s32 $0xFFFFEC00  }
0x3c: {  	[tilespmem:s19], [sflag:$0x3] =	stream.linear.gather [hbm4b:s13+s28], $0x1400, $0x38;
	[tilespmem:$0x1E400] =	vst v63  }
0x3d: {  	_ =	swait.ge [sflag:s17], $0x1400  }
0x3e: {  	[sflag:s17] =	ssyncset.done $0x0  }
0x3f: {  	[sflag:s17] =	ssyncadd.s32 $0xFFFFEC00  }
0x40: {  	[tilespmem:s16], [sflag:$0x1] =	stream.indirect.gather [hbm4b:s4+s20], $0x80, s18, s20, $0xb8;
	[tilespmem:$0x1E400] =	vst v63  }
0x41: {  	_ =	swait.ge [sflag:s21], $0x4000  }
0x42: {  	[sflag:s21] =	ssyncset.done $0x0  }
0x43: {  	s28 =	simm.s32 $0x13C80;
	[sflag:s21] =	ssyncadd.s32 $0xFFFFC000  }
0x44: {  	[tilespmem:s22], [sflag:$0x2] =	stream.indirect.gather [hbm4b:s4+s20], $0x80, s28, s20, $0xb8;
	[tilespmem:$0x1E400] =	vst v63  }
0x45: {  	s28 =	simm.s32 $0x15000  }
0x46: {  	[spmem:s2] =	stream.indirect.scatter.add.f32 [tilespmem:s16], [sflag:$0x3], $0x80, s28, s20, $0xb8;
	[tilespmem:$0x1E400] =	vst v63  }
0x47: {  	_ =	swait.ge [sflag:s17], $0x4000  }
0x48: {  	[sflag:s17] =	ssyncset.done $0x0  }
0x49: {  	[sflag:s17] =	ssyncadd.s32 $0xFFFFC000  }
0x4a: {  	_ =	swait.ge [sflag:s23], $0x4000  }
0x4b: {  	[sflag:s23] =	ssyncset.done $0x0  }
0x4c: {  	s28 =	simm.s32 $0x13D00;
	[sflag:s23] =	ssyncadd.s32 $0xFFFFC000  }
0x4d: {  	[tilespmem:s16], [sflag:$0x1] =	stream.indirect.gather [hbm4b:s4+s20], $0x80, s28, s20, $0xb8;
	[tilespmem:$0x1E400] =	vst v63  }
0x4e: {  	s28 =	simm.s32 $0x15080  }
0x4f: {  	[spmem:s2] =	stream.indirect.scatter.add.f32 [tilespmem:s22], [sflag:$0x3], $0x80, s28, s20, $0xb8;
	[tilespmem:$0x1E400] =	vst v63  }
0x50: {  	_ =	swait.ge [sflag:s17], $0x4000  }
0x51: {  	s28 =	simm.s32 $0x400;
	[sflag:s17] =	ssyncset.done $0x0  }
.LBB2_4:
0x52: {  	p0 =	sne.s32 s28, $0x4800  }
0x53: {  	[sflag:s17] =	ssyncadd.s32 $0xFFFFC000;
	s29 =	smov.u32 s28;
	s28 =	sadd.s32 $0x400, s28  }
0x54: {  	_ = 	snop  }
0x55: {  	_ =	swait.ge [sflag:s21], $0x4000  }
0x56: {  	s29 =	sshra.s32 s29, $0x2;
	[sflag:s21] =	ssyncset.done $0x0  }
0x57: {  	s30 =	sadd.s32 $0x13C80, s29;
	[sflag:s21] =	ssyncadd.s32 $0xFFFFC000  }
0x58: {  	[tilespmem:s22], [sflag:$0x2] =	stream.indirect.gather [hbm4b:s4+s20], $0x80, s30, s20, $0xb8;
	[tilespmem:$0x1E400] =	vst v63  }
0x59: {  	s30 =	sadd.s32 $0x15000, s29  }
0x5a: {  	[spmem:s2] =	stream.indirect.scatter.add.f32 [tilespmem:s16], [sflag:$0x3], $0x80, s30, s20, $0xb8;
	[tilespmem:$0x1E400] =	vst v63  }
0x5b: {  	_ =	swait.ge [sflag:s17], $0x4000  }
0x5c: {  	[sflag:s17] =	ssyncset.done $0x0  }
0x5d: {  	[sflag:s17] =	ssyncadd.s32 $0xFFFFC000  }
0x5e: {  	_ =	swait.ge [sflag:s23], $0x4000  }
0x5f: {  	[sflag:s23] =	ssyncset.done $0x0  }
0x60: {  	s30 =	sadd.s32 $0x13D00, s29;
	[sflag:s23] =	ssyncadd.s32 $0xFFFFC000  }
0x61: {  	[tilespmem:s16], [sflag:$0x1] =	stream.indirect.gather [hbm4b:s4+s20], $0x80, s30, s20, $0xb8;
	[tilespmem:$0x1E400] =	vst v63  }
.Ltmp1:
0x62: {  	_ = 	snop;
	(pc) =	sbr.rel @p0 .LBB2_4-.Ltmp1, $4  }
0x63: {  	s29 =	sadd.s32 $0x15080, s29  }
0x64: {  	[spmem:s2] =	stream.indirect.scatter.add.f32 [tilespmem:s22], [sflag:$0x3], $0x80, s29, s20, $0xb8;
	[tilespmem:$0x1E400] =	vst v63  }
0x65: {  	_ =	swait.ge [sflag:s17], $0x4000  }
0x66: {  	[sflag:s17] =	ssyncset.done $0x0  }
0x67: {  	[sflag:s17] =	ssyncadd.s32 $0xFFFFC000  }
0x68: {  	_ =	swait.ge [sflag:s21], $0x4000  }
0x69: {  	[sflag:s21] =	ssyncset.done $0x0  }
0x6a: {  	[sflag:s21] =	ssyncadd.s32 $0xFFFFC000  }
0x6b: {  	[tilespmem:s22], [sflag:$0x2] =	stream.indirect.gather [hbm4b:s4+s20], $0x80, s24, s20, $0xb8;
	[tilespmem:$0x1E400] =	vst v63  }
0x6c: {  	_ = 	snop  }
0x6d: {  	[spmem:s2] =	stream.indirect.scatter.add.f32 [tilespmem:s16], [sflag:$0x3], $0x80, s25, s20, $0xb8;
	[tilespmem:$0x1E400] =	vst v63  }
0x6e: {  	_ =	swait.ge [sflag:s17], $0x4000  }
0x6f: {  	[sflag:s17] =	ssyncset.done $0x0  }
0x70: {  	[sflag:s17] =	ssyncadd.s32 $0xFFFFC000  }
0x71: {  	_ =	swait.ge [sflag:s23], $0x4000  }
0x72: {  	[sflag:s23] =	ssyncset.done $0x0  }
0x73: {  	[sflag:s23] =	ssyncadd.s32 $0xFFFFC000  }
0x74: {  	[spmem:s2] =	stream.indirect.scatter.add.f32 [tilespmem:s22], [sflag:$0x3], $0x80, s26, s20, $0xb8;
	[tilespmem:$0x1E400] =	vst v63  }
0x75: {  	_ =	swait.ge [sflag:s17], $0x4000  }
0x76: {  	[sflag:s17] =	ssyncset.done $0x0  }
0x77: {  	s28 =	simm.s32 $0x0;
	[sflag:s17] =	ssyncadd.s32 $0xFFFFC000  }
0x78: {  	[tilespmem:s18], [sflag:$0x3] =	stream.linear.gather [hbm4b:s14+s28], $0x1400, $0x38;
	[tilespmem:$0x1E400] =	vst v63  }
0x79: {  	_ =	swait.ge [sflag:s17], $0x1400  }
0x7a: {  	[sflag:s17] =	ssyncset.done $0x0  }
0x7b: {  	[sflag:s17] =	ssyncadd.s32 $0xFFFFEC00  }
0x7c: {  	[tilespmem:s19], [sflag:$0x3] =	stream.linear.gather [hbm4b:s15+s28], $0x1400, $0x38;
	[tilespmem:$0x1E400] =	vst v63  }
0x7d: {  	_ =	swait.ge [sflag:s17], $0x1400  }
0x7e: {  	[sflag:s17] =	ssyncset.done $0x0  }
0x7f: {  	[sflag:s17] =	ssyncadd.s32 $0xFFFFEC00  }
0x80: {  	[tilespmem:s16], [sflag:$0x1] =	stream.indirect.gather [hbm4b:s4+s20], $0x80, s18, s20, $0xb8;
	[tilespmem:$0x1E400] =	vst v63  }
0x81: {  	_ =	swait.ge [sflag:s21], $0x4000  }
0x82: {  	[sflag:s21] =	ssyncset.done $0x0  }
0x83: {  	s28 =	simm.s32 $0x13C80;
	[sflag:s21] =	ssyncadd.s32 $0xFFFFC000  }
0x84: {  	[tilespmem:s22], [sflag:$0x2] =	stream.indirect.gather [hbm4b:s4+s20], $0x80, s28, s20, $0xb8;
	[tilespmem:$0x1E400] =	vst v63  }
0x85: {  	s28 =	simm.s32 $0x15000  }
0x86: {  	[spmem:s2] =	stream.indirect.scatter.add.f32 [tilespmem:s16], [sflag:$0x3], $0x80, s28, s20, $0xb8;
	[tilespmem:$0x1E400] =	vst v63  }
0x87: {  	_ =	swait.ge [sflag:s17], $0x4000  }
0x88: {  	[sflag:s17] =	ssyncset.done $0x0  }
0x89: {  	[sflag:s17] =	ssyncadd.s32 $0xFFFFC000  }
0x8a: {  	_ =	swait.ge [sflag:s23], $0x4000  }
0x8b: {  	[sflag:s23] =	ssyncset.done $0x0  }
0x8c: {  	s28 =	simm.s32 $0x13D00;
	[sflag:s23] =	ssyncadd.s32 $0xFFFFC000  }
0x8d: {  	[tilespmem:s16], [sflag:$0x1] =	stream.indirect.gather [hbm4b:s4+s20], $0x80, s28, s20, $0xb8;
	[tilespmem:$0x1E400] =	vst v63  }
0x8e: {  	s28 =	simm.s32 $0x15080  }
0x8f: {  	[spmem:s2] =	stream.indirect.scatter.add.f32 [tilespmem:s22], [sflag:$0x3], $0x80, s28, s20, $0xb8;
	[tilespmem:$0x1E400] =	vst v63  }
0x90: {  	_ =	swait.ge [sflag:s17], $0x4000  }
0x91: {  	s28 =	simm.s32 $0x400;
	[sflag:s17] =	ssyncset.done $0x0  }
.LBB2_6:
0x92: {  	p0 =	sne.s32 s28, $0x4800  }
0x93: {  	[sflag:s17] =	ssyncadd.s32 $0xFFFFC000;
	s29 =	smov.u32 s28;
	s28 =	sadd.s32 $0x400, s28  }
0x94: {  	_ = 	snop  }
0x95: {  	_ =	swait.ge [sflag:s21], $0x4000  }
0x96: {  	s29 =	sshra.s32 s29, $0x2;
	[sflag:s21] =	ssyncset.done $0x0  }
0x97: {  	s30 =	sadd.s32 $0x13C80, s29;
	[sflag:s21] =	ssyncadd.s32 $0xFFFFC000  }
0x98: {  	[tilespmem:s22], [sflag:$0x2] =	stream.indirect.gather [hbm4b:s4+s20], $0x80, s30, s20, $0xb8;
	[tilespmem:$0x1E400] =	vst v63  }
0x99: {  	s30 =	sadd.s32 $0x15000, s29  }
0x9a: {  	[spmem:s2] =	stream.indirect.scatter.add.f32 [tilespmem:s16], [sflag:$0x3], $0x80, s30, s20, $0xb8;
	[tilespmem:$0x1E400] =	vst v63  }
0x9b: {  	_ =	swait.ge [sflag:s17], $0x4000  }
0x9c: {  	[sflag:s17] =	ssyncset.done $0x0  }
0x9d: {  	[sflag:s17] =	ssyncadd.s32 $0xFFFFC000  }
0x9e: {  	_ =	swait.ge [sflag:s23], $0x4000  }
0x9f: {  	[sflag:s23] =	ssyncset.done $0x0  }
0xa0: {  	s30 =	sadd.s32 $0x13D00, s29;
	[sflag:s23] =	ssyncadd.s32 $0xFFFFC000  }
0xa1: {  	[tilespmem:s16], [sflag:$0x1] =	stream.indirect.gather [hbm4b:s4+s20], $0x80, s30, s20, $0xb8;
	[tilespmem:$0x1E400] =	vst v63  }
.Ltmp2:
0xa2: {  	_ = 	snop;
	(pc) =	sbr.rel @p0 .LBB2_6-.Ltmp2, $4  }
0xa3: {  	s29 =	sadd.s32 $0x15080, s29  }
0xa4: {  	[spmem:s2] =	stream.indirect.scatter.add.f32 [tilespmem:s22], [sflag:$0x3], $0x80, s29, s20, $0xb8;
	[tilespmem:$0x1E400] =	vst v63  }
0xa5: {  	_ =	swait.ge [sflag:s17], $0x4000  }
0xa6: {  	[sflag:s17] =	ssyncset.done $0x0  }
0xa7: {  	[sflag:s17] =	ssyncadd.s32 $0xFFFFC000  }
0xa8: {  	_ =	swait.ge [sflag:s21], $0x4000  }
0xa9: {  	[sflag:s21] =	ssyncset.done $0x0  }
0xaa: {  	[sflag:s21] =	ssyncadd.s32 $0xFFFFC000  }
0xab: {  	[tilespmem:s22], [sflag:$0x2] =	stream.indirect.gather [hbm4b:s4+s20], $0x80, s24, s20, $0xb8;
	[tilespmem:$0x1E400] =	vst v63  }
0xac: {  	_ = 	snop  }
0xad: {  	[spmem:s2] =	stream.indirect.scatter.add.f32 [tilespmem:s16], [sflag:$0x3], $0x80, s25, s20, $0xb8;
	[tilespmem:$0x1E400] =	vst v63  }
0xae: {  	_ =	swait.ge [sflag:s17], $0x4000  }
0xaf: {  	[sflag:s17] =	ssyncset.done $0x0  }
0xb0: {  	[sflag:s17] =	ssyncadd.s32 $0xFFFFC000  }
0xb1: {  	_ =	swait.ge [sflag:s23], $0x4000  }
0xb2: {  	[sflag:s23] =	ssyncset.done $0x0  }
0xb3: {  	[sflag:s23] =	ssyncadd.s32 $0xFFFFC000  }
0xb4: {  	[spmem:s2] =	stream.indirect.scatter.add.f32 [tilespmem:s22], [sflag:$0x3], $0x80, s26, s20, $0xb8;
	[tilespmem:$0x1E400] =	vst v63  }
0xb5: {  	_ =	swait.ge [sflag:s17], $0x4000  }
0xb6: {  	s28 =	sshll.u32 s1, $0x6;
	s3 =	sadd.s32 $0x1, s3;
	[sflag:s17] =	ssyncset.done $0x0  }
0xb7: {  	s29 =	sshrl.u32 s5, $0x3;
	p0 =	sne.s32 s3, s8;
	[sflag:s17] =	ssyncadd.s32 $0xFFFFC000  }
.Ltmp3:
0xb8: {  	s28 =	sor.u32 $0x1C03, s28;
	[bflag:$0x0] =	sbarrier.arrive $0xFFFF;
	(pc) =	sbr.rel @p0 .LBB2_1-.Ltmp3, $4  }
0xb9: {  	[hbm:s7], [sflag:s28] =	dma.local [spmem:s29], $0x2780  }
0xba: {  	_ =	swait.ge [sflag:s17], $0x2780  }
0xbb: {  	[sflag:s17] =	ssyncset.done $0x0  }
0xbc: {  	[sflag:s17] =	ssyncadd.s32 $0xFFFFD880  }
0xbd: {  	_ =	sfence.sel $0x180000  }
0xbe: {  	[bflag:$0x0] =	sbarrier.arrive $0xFFFF  }
0xbf: {  	p0 =	sne.s32 s1, $0x0;
	_ =	strace $0x9000004D  }
0xc0: {  	s0 =	sadd.s32 @!p0 $0x100000, s0;
	[bflag:$0x2] =	sbarrier.arrive $0xFFFF  }
0xc1: {  	[sflag:s0] =	ssyncadd.tile.s32 @!p0 $0x1;
	_ =	shalt  }
.Lfunc_end2:
_tile_overlayer_lowered:
.L_overlay_start_2:
0xc2: {  	(tag) =	ssettag $0x2  }
0xc3: {  	s0 =	rddreg [dreg:$0x0];
	s2 =	stileid.u32  }
0xc4: {  	s1 =	rddreg [dreg:$0x1];
	p0 =	sne.s32 s2, $0x0  }
0xc5: {  	s3 =	rddreg [dreg:$0x2];
	[bflag:$0x3] =	sbarrier.arrive $0xFFFF;
	s2 =	simm.s32 @!p0 $0x1C03  }
0xc6: {  	[timem:s3], [sflag:s2] =	dma.local @!p0 [hbm:s0], s1  }
0xc7: {  	s0 =	simm.s32 @!p0 $0x3  }
0xc8: {  	_ =	swait.ge @!p0 [sflag:s0], s1  }
0xc9: {  	s1 =	ssub.s32 @!p0 $0x0, s1;
	[sflag:s0] =	ssyncset.done @!p0 $0x0  }
0xca: {  	[sflag:s0] =	ssyncadd.s32 @!p0 s1  }
0xcb: {  	[bflag:$0x3] =	sbarrier.arrive $0xFFFF  }
0xcc: {  	_ =	shalt  }

// kernel: kernel.9.cloned.1.call-start
scs
__scs_entry_jumppad:
0x0: {  	(pc) =	sbr.rel $0x88, $3  }
0x1: {  	(tag) =	ssettag $0x0;
	lr =	simm.s32 $0x1  }
0x2: {  	[smem:$0x3F98] =	sst lr;
	_ =	strace $0xD0000000  }
0x3: {  	_ = 	snop  }
0x4: {  	_ = 	snop  }
0x5: {  	_ = 	snop  }
0x6: {  	_ = 	snop  }
0x7: {  	_ = 	snop  }
__scs_overlays_trampoline_lowered:
0x8: {  	[smem:$0x3FA7] =	sst s0  }
0x9: {  	[smem:$0x3FA8] =	sst s1  }
0xa: {  	[smem:$0x3FA9] =	sst s2  }
0xb: {  	[smem:$0x3FAA] =	sst s3  }
0xc: {  	[smem:$0x3FAB] =	sst s4  }
0xd: {  	[smem:$0x3FAC] =	sst s5  }
0xe: {  	[smem:$0x3FAD] =	sst s6  }
0xf: {  	[smem:$0x3FAE] =	sst s7  }
0x10: {  	[smem:$0x3FAF] =	sst s8  }
0x11: {  	[smem:$0x3FB0] =	sst s9;
	s0 =	simm.s32 @!p0 $0x0  }
0x12: {  	s1 =	sld [smem:$0x3F96];
	s0 =	simm.s32 @p0 $0x1  }
0x13: {  	[smem:$0x3FB1] =	sst s0;
	s0 =	simm.s32 @!p1 $0x0  }
0x14: {  	s2 =	sld [smem:$0x3F95];
	s0 =	simm.s32 @p1 $0x1  }
0x15: {  	[smem:$0x3FB2] =	sst s0;
	s0 =	simm.s32 @!p2 $0x0  }
0x16: {  	s3 =	sld [smem:$0x3FDB];
	s0 =	simm.s32 @p2 $0x1  }
0x17: {  	s4 =	simm.s32 $0x1BF5;
	[smem:$0x3FB4] =	sst s0  }
0x18: {  	s0 =	sld [smem:$0x3F97];
	_ =	swait.ge [sflag:s4], $0x0  }
0x19: {  	s7 =	sld [smem:$0x3F98]  }
0x1a: {  	s8 =	sadd.s32 $0xFFFFE003, lr  }
0x1b: {  	s9 =	sadd.s32 $0xFFFFFEF7, lr;
	s5 =	simm.s32 $0xFFFFFFFF;
	p2 =	slt.u32 s8, $0xFFFFF086  }
0x1c: {  	p1 =	slt.u32 s9, $0xF7A;
	s5 =	simm.s32 @!p2 $0x0  }
0x1d: {  	s5 =	simm.s32 @p1 $0x1;
	p0 =	seq.s32 s7, s2  }
0x1e: {  	s7 =	smul.u32 @!p0 $0xF7A, s2;
	p2 =	seq.s32 @!p0 s5, $0x0  }
0x1f: {  	s9 =	smul.u32 $0xF7A, s1;
	s8 =	simm.s32 @!p0 $0x1BF5;
	p2 =	por !p2, p0  }
0x20: {  	[sflag:s8] =	ssyncset.s32 @!p0 $0xFFFFF086;
	s6 =	sadd.s32 @!p0 s3, s7;
	s7 =	simm.s32 @!p0 $0x108  }
0x21: {  	s3 =	sadd.s32 s3, s9;
	s6 =	sadd.s32 @!p0 $0x88, s6;
	s7 =	simm.s32 @p2 $0x1082  }
0x22: {  	[simem:s7], [sflag:s8] =	dma.local @!p0 [hbm:s6], $0xF7A  }
0x23: {  	s9 =	sor.u32 $0xD0000000, s2;
	s6 =	simm.s32 $0x108;
	_ =	swait.ge @!p0 [sflag:s8], $0x0  }
0x24: {  	s3 =	sadd.s32 $0x88, s3;
	s6 =	simm.s32 @!p1 $0x1082;
	[sflag:s4] =	ssyncset.s32 $0xFFFFF086  }
0x25: {  	[simem:s6], [sflag:s4] =	dma.local [hbm:s3], $0xF7A  }
0x26: {  	[smem:$0x3F98] =	sst s1;
	(tag) =	ssettag s2;
	_ =	strace s9  }
0x27: {  	s1 =	sld [smem:$0x3FA8]  }
0x28: {  	s2 =	sld [smem:$0x3FA9]  }
0x29: {  	s4 =	sld [smem:$0x3FAB]  }
0x2a: {  	p0 =	seq.s32 s5, $0x0;
	s5 =	sld [smem:$0x3FAC]  }
0x2b: {  	s6 =	sld [smem:$0x3FAD]  }
0x2c: {  	s7 =	sld [smem:$0x3FAE]  }
0x2d: {  	s3 =	simm.s32 $0x108;
	s8 =	sld [smem:$0x3FAF]  }
0x2e: {  	s3 =	simm.s32 @!p0 $0x1082;
	s9 =	sld [smem:$0x3FB0]  }
0x2f: {  	lr =	sadd.s32 s0, s3;
	s0 =	sld [smem:$0x3FA7]  }
0x30: {  	s3 =	sld [smem:$0x3FAA]  }
0x31: {  	[smem:$0x3FB3] =	sst s10  }
0x32: {  	s10 =	sld [smem:$0x3FB1];
	_ =	sdelay $0x3  }
0x33: {  	p0 =	seq.s32 s10, $0x1;
	s10 =	sld [smem:$0x3FB3];
	_ =	sdelay $0x3  }
0x34: {  	[smem:$0x3FB3] =	sst s10  }
0x35: {  	s10 =	sld [smem:$0x3FB2];
	_ =	sdelay $0x3  }
0x36: {  	p1 =	seq.s32 s10, $0x1;
	s10 =	sld [smem:$0x3FB3];
	_ =	sdelay $0x3  }
0x37: {  	[smem:$0x3FB3] =	sst s10  }
0x38: {  	s10 =	sld [smem:$0x3FB4]  }
0x39: {  	_ = 	snop;
	(pc) =	sbr.ind lr, $3  }
0x3a: {  	_ = 	snop  }
0x3b: {  	_ = 	snop  }
0x3c: {  	p2 =	seq.s32 s10, $0x1;
	s10 =	sld [smem:$0x3FB3]  }
0x3d: {  	_ =	shalt  }
0x3e: {  	_ =	shalt  }
0x3f: {  	_ =	shalt  }
0x40: {  	_ =	shalt  }
0x41: {  	_ =	shalt  }
0x42: {  	_ =	shalt  }
0x43: {  	_ =	shalt  }
0x44: {  	_ =	shalt  }
0x45: {  	_ =	shalt  }
0x46: {  	_ =	shalt  }
0x47: {  	_ =	shalt  }
0x48: {  	_ =	shalt  }
0x49: {  	_ =	shalt  }
0x4a: {  	_ =	shalt  }
0x4b: {  	_ =	shalt  }
0x4c: {  	_ =	shalt  }
0x4d: {  	_ =	shalt  }
0x4e: {  	_ =	shalt  }
0x4f: {  	_ =	shalt  }
0x50: {  	_ =	shalt  }
0x51: {  	_ =	shalt  }
0x52: {  	_ =	shalt  }
0x53: {  	_ =	shalt  }
0x54: {  	_ =	shalt  }
0x55: {  	_ =	shalt  }
0x56: {  	_ =	shalt  }
0x57: {  	_ =	shalt  }
0x58: {  	_ =	shalt  }
0x59: {  	_ =	shalt  }
0x5a: {  	_ =	shalt  }
0x5b: {  	_ =	shalt  }
0x5c: {  	_ =	shalt  }
0x5d: {  	_ =	shalt  }
0x5e: {  	_ =	shalt  }
0x5f: {  	_ =	shalt  }
0x60: {  	_ =	shalt  }
0x61: {  	_ =	shalt  }
0x62: {  	_ =	shalt  }
0x63: {  	_ =	shalt  }
0x64: {  	_ =	shalt  }
0x65: {  	_ =	shalt  }
0x66: {  	_ =	shalt  }
0x67: {  	_ =	shalt  }
0x68: {  	_ =	shalt  }
0x69: {  	_ =	shalt  }
0x6a: {  	_ =	shalt  }
0x6b: {  	_ =	shalt  }
0x6c: {  	_ =	shalt  }
0x6d: {  	_ =	shalt  }
0x6e: {  	_ =	shalt  }
0x6f: {  	_ =	shalt  }
0x70: {  	_ =	shalt  }
0x71: {  	_ =	shalt  }
0x72: {  	_ =	shalt  }
0x73: {  	_ =	shalt  }
0x74: {  	_ =	shalt  }
0x75: {  	_ =	shalt  }
0x76: {  	_ =	shalt  }
0x77: {  	_ =	shalt  }
0x78: {  	_ =	shalt  }
0x79: {  	_ =	shalt  }
0x7a: {  	_ =	shalt  }
0x7b: {  	_ =	shalt  }
0x7c: {  	_ =	shalt  }
0x7d: {  	_ =	shalt  }
0x7e: {  	_ =	shalt  }
0x7f: {  	_ =	shalt  }
0x80: {  	_ =	shalt  }
0x81: {  	_ =	shalt  }
0x82: {  	_ =	shalt  }
0x83: {  	_ =	shalt  }
0x84: {  	_ =	shalt  }
0x85: {  	_ =	shalt  }
0x86: {  	_ =	shalt  }
0x87: {  	_ =	shalt  }
.Lfunc_end0:
.L_simem_size_0:
called_computation_lowered:
.L_overlay_start_0:
0x88: {  	s2 =	sld [smem:$0x3FD9]  }
0x89: {  	s3 =	sld [smem:$0x3FFE];
	_ =	sdelay $0x1  }
0x8a: {  	s1 =	srdreg.scid  }
0x8b: {  	s0 =	sand.u32 $0x1, s1  }
0x8c: {  	s16 =	sshll.u32 s0, $0xA;
	s2 =	sadd.s32 s3, s2  }
0x8d: {  	s2 =	sadd.s32 s2, s16  }
0x8e: {  	[smem:$0x3FBF] =	sst s2  }
0x8f: {  	_ = 	snop  }
0x90: {  	(tm) =	ssettm $0x1  }
0x91: {  	s17 =	sld [smem:$0x3FFB];
	_ =	sdelay $0x3  }
0x92: {  	_ =	strace s17  }
0x93: {  	s2 =	sld [smem:$0x3FFC];
	_ =	sdelay $0x3  }
0x94: {  	_ =	strace s2  }
0x95: {  	s2 =	sld [smem:$0x3FFD];
	_ =	sdelay $0x3  }
0x96: {  	_ =	strace s2  }
0x97: {  	_ =	strace $0x8FFFFFFF  }
0x98: {  	s18 =	sld [smem:$0x3FDB];
	_ =	sdelay $0x1  }
0x99: {  	s19 =	simm.s32 $_scs_section_size  }
0x9a: {  	s4 =	simm.s32 $_size__tile_overlayer_lowered;
	s5 =	simm.s32 $_tile_overlayer_lowered  }
0x9b: {  	s22 =	simm.s32 $0x1BFF;
	s21 =	sshll.u32 s5, $0x1;
	s2 =	sadd.s32 s19, s18  }
0x9c: {  	s6 =	simm.s32 $0x0;
	s20 =	sshll.u32 s4, $0x1;
	s4 =	sadd.s32 s21, s2  }
0x9d: {  	[timem:s6], [sflag:s22] =	dma.local [hbm:s4], s20  }
0x9e: {  	_ =	swait.ge [sflag:s22], s20  }
0x9f: {  	s3 =	ssub.s32 $0x0, s20;
	[sflag:s22] =	ssyncset.done $0x0  }
0xa0: {  	[sflag:s22] =	ssyncadd.s32 s3;
	_ =	sdelay $0x1  }
0xa1: {  	s23 =	simm.s32 $0x1B8B  }
0xa2: {  	_ =	swait.ge [sflag:s23], $0x1  }
0xa3: {  	[sflag:s23] =	ssyncset.done $0x0  }
0xa4: {  	s25 =	simm.s32 $0x1B8E;
	s24 =	sld [smem:$0x3FFE];
	[sflag:s23] =	ssyncadd.s32 $0xFFFFFFFF  }
0xa5: {  	s26 =	simm.s32 $execute0_lowered;
	[smem:$0x3FD2] =	sst s25  }
0xa6: {  	s4 =	sshll.u32 s26, $0x1;
	_ =	strace $0x80000046;
	[dreg:$0x1] =	wrdreg $0xFFFFFFFF  }
0xa7: {  	s28 =	simm.s32 $_size_execute0_lowered;
	s2 =	sadd.s32 s2, s4;
	[dreg:$0x0] =	wrdreg $0x0  }
0xa8: {  	s4 =	sshll.u32 s28, $0x1;
	[dreg:$0x2] =	wrdreg s2  }
0xa9: {  	[dreg:$0x3] =	wrdreg s4  }
0xaa: {  	[dreg:$0x4] =	wrdreg $0xC0  }
0xab: {  	_ =	task [dreg:s6], $0x5FFFF  }
0xac: {  	[dreg:$0x1] =	wrdreg $0xFFFFFFFF  }
0xad: {  	[dreg:$0x0] =	wrdreg $0x60  }
0xae: {  	[dreg:$0x2] =	wrdreg s24  }
0xaf: {  	[dreg:$0x3] =	wrdreg $0x9  }
0xb0: {  	_ =	task.clear_ibuf [dreg:s6], $0x4FFFF;
	_ =	strace $0x90000046  }
0xb1: {  	s29 =	simm.s32 $0x9;
	_ =	strace $0x80000048  }
0xb2: {  	_ =	swait.ge [sflag:s29], $0x1  }
0xb3: {  	[sflag:s29] =	ssyncadd.s32 $0xFFFFFFFF  }
0xb4: {  	_ =	strace $0x90000048  }
0xb5: {  	_ =	sfence  }
0xb6: {  	s30 =	sld [smem:$0x0];
	_ =	sdelay $0x2  }
0xb7: {  	s31 =	sshll.u32 s1, $0xD;
	s1 =	sshrl.u32 s1, $0x2  }
0xb8: {  	s3 =	sand.u32 $0x4000, s31;
	s1 =	sadd.s32 s1, s30  }
0xb9: {  	s0 =	sor.u32 s3, s0;
	s1 =	sshll.u32 s1, $0x11  }
0xba: {  	s0 =	sor.u32 s1, s0  }
0xbb: {  	s0 =	sadd.s32 $0x8F2B, s0  }
0xbc: {  	[sflag:s0] =	ssyncadd.remote.s32 $0x1  }
0xbd: {  	_ =	sfence.sel $0xFFFF  }
0xbe: {  	[dreg:$0x0] =	wrdreg $0xFFFFFFFF;
	(pc) =	sbr.abs _section_cstart, $3  }
0xbf: {  	[dreg:$0x1] =	wrdreg $0xFFFFFFFF  }
0xc0: {  	_ =	task.clear_ibuf [dreg:s6], $0x2FFFF;
	_ =	strace $0x9FFFFFFF  }
0xc1: {  	(tm) =	ssettm $0x7FFFFFFF  }
tec
execute0_lowered:
.L_overlay_start_1:
0x0: {  	(tag) =	ssettag $0x1  }
0x1: {  	s1 =	srdreg.scid;
	s0 =	stileid.u32  }
0x2: {  	s4 =	rddreg [dreg:$0x0];
	s9 =	simm.s32 $0x400;
	s10 =	simm.s32 $0x0  }
0x3: {  	s3 =	sand.u32 $0x1, s1;
	s2 =	sshrl.u32 s0, $0x3;
	s1 =	rddreg [dreg:$0x1]  }
0x4: {  	s7 =	sshll.u32 s0, $0x1;
	s8 =	sshll.u32 s0, $0x7;
	s5 =	smul.u32 $0x27800, s3  }
0x5: {  	s6 =	smul.u32 $0x13C00, s2;
	s2 =	simm.s32 $0x0;
	s7 =	sor.u32 s3, s7  }
0x6: {  	s29 =	sand.u32 $0x380, s8;
	s3 =	ssub.s32 $0x2, s3;
	s8 =	simm.s32 $0x80  }
0x7: {  	[smem:$0x7FF] =	sst s2;
	s7 =	smul.u32 $0x500, s7;
	s5 =	sadd.s32 s5, s6  }
0x8: {  	s31 =	sshrl.u32 s3, $0x1;
	_ =	strace $0x80000047;
	s5 =	sor.u32 s29, s5  }
0x9: {  	s6 =	simm.s32 $0x2780;
	s30 =	sadd.s32 s7, s4;
	s5 =	sshrl.u32 s5, $0x3  }
0xa: {  	s7 =	simm.s32 $0x1;
	s4 =	sadd.s32 s5, s4;
	s5 =	ssub.s32 s3, s31  }
0xb: {  	v0 =	vimm.f32 $0.0e+00;
	v1 =	vimm.f32 $1.000000000e+00;
	s3 =	sadd.s32 $0x2800, s30;
	s4 =	sadd.s32 $0xC800, s4;
	s5 =	smax.u32 s5, $0x1  }
.LBB2_1:
0xc: {  	s11 =	simm.s32 $0x40;
	s12 =	simm.s32 $0x0  }
.LBB2_2:
0xd: {  	p0 =	sne.s32 s11, $0x9DC0;
	[tilespmem:s12+$0x0] =	vst v0;
	s12 =	smov.u32 s11;
	s11 =	sadd.s32 $0x40, s11  }
.Ltmp0:
0xe: {  	(pc) =	sbr.rel @p0 .LBB2_2-.Ltmp0, $2  }
0xf: {  	_ =	sdelay $0x2  }
0x10: {  	s12 =	sshra.s32 s12, $0x2  }
0x11: {  	[tilespmem:s12+$0x0] =	vst v0  }
0x12: {  	[tilespmem:s6], [sflag:$0x1] =	stream.linear.gather [hbm4b:s3+s2], $0x2800, $0x38;
	[tilespmem:$0x4F80] =	vst v63  }
0x13: {  	_ =	swait.ge [sflag:s7], $0x2800  }
0x14: {  	[sflag:s7] =	ssyncset.done $0x0  }
0x15: {  	s11 =	simm.s32 $0x1C0;
	[sflag:s7] =	ssyncadd.s32 $0xFFFFD800  }
.LBB2_4:
0x16: {  	s12 =	sshra.s32 s11, $0x2  }
0x17: {  	v2 =	vld [tilespmem:s12+$0x2710];
	_ =	sdelay $0x7  }
0x18: {  	[tilespmem:v2+s2+$0x0] =	vst.idx.add.f32.msk $0xffff, v1  }
0x19: {  	v2 =	vld [tilespmem:s12+$0x2720];
	_ =	sdelay $0x7  }
0x1a: {  	[tilespmem:v2+s2+$0x0] =	vst.idx.add.f32.msk $0xffff, v1  }
0x1b: {  	v2 =	vld [tilespmem:s12+$0x2730];
	_ =	sdelay $0x7  }
0x1c: {  	[tilespmem:v2+s2+$0x0] =	vst.idx.add.f32.msk $0xffff, v1  }
0x1d: {  	v2 =	vld [tilespmem:s12+$0x2740];
	_ =	sdelay $0x7  }
0x1e: {  	[tilespmem:v2+s2+$0x0] =	vst.idx.add.f32.msk $0xffff, v1  }
0x1f: {  	v2 =	vld [tilespmem:s12+$0x2750];
	_ =	sdelay $0x7  }
0x20: {  	[tilespmem:v2+s2+$0x0] =	vst.idx.add.f32.msk $0xffff, v1  }
0x21: {  	v2 =	vld [tilespmem:s12+$0x2760];
	_ =	sdelay $0x7  }
0x22: {  	[tilespmem:v2+s2+$0x0] =	vst.idx.add.f32.msk $0xffff, v1  }
0x23: {  	v2 =	vld [tilespmem:s12+$0x2770];
	_ =	sdelay $0x7  }
0x24: {  	[tilespmem:v2+s2+$0x0] =	vst.idx.add.f32.msk $0xffff, v1  }
0x25: {  	v2 =	vld [tilespmem:s12+$0x2780];
	_ =	sdelay $0x2  }
0x26: {  	p0 =	sne.s32 s11, $0x9FC0  }
.Ltmp1:
0x27: {  	_ = 	snop;
	(pc) =	sbr.rel @p0 .LBB2_4-.Ltmp1, $2  }
0x28: {  	_ =	sdelay $0x2  }
0x29: {  	s11 =	sadd.s32 $0x200, s11;
	[tilespmem:v2+s2+$0x0] =	vst.idx.add.f32.msk $0xffff, v1  }
0x2a: {  	s10 =	sadd.s32 $0x1, s10  }
0x2b: {  	p0 =	sne.s32 s10, s5  }
.Ltmp2:
0x2c: {  	_ = 	snop;
	(pc) =	sbr.rel @p0 .LBB2_1-.Ltmp2, $4  }
0x2d: {  	[hbm4b:s4+s8] =	stream.strided.scatter [tilespmem:s2], [sflag:$0x1], $0x2780, s9, s8, $0x38;
	[tilespmem:$0x4F80] =	vst v63  }
0x2e: {  	_ =	swait.ge [sflag:s7], $0x2780  }
0x2f: {  	[sflag:s7] =	ssyncset.done $0x0  }
0x30: {  	[sflag:s7] =	ssyncadd.s32 $0xFFFFD880  }
0x31: {  	_ =	sfence.sel $0x180000  }
0x32: {  	[bflag:$0x0] =	sbarrier.arrive $0xFFFF  }
0x33: {  	p0 =	sne.s32 s0, $0x0;
	_ =	strace $0x90000047  }
0x34: {  	s0 =	sadd.s32 @!p0 $0x100000, s1;
	[bflag:$0x2] =	sbarrier.arrive $0xFFFF  }
0x35: {  	[sflag:s0] =	ssyncadd.tile.s32 @!p0 $0x1;
	_ =	shalt  }
.Lfunc_end2:
_tile_overlayer_lowered:
.L_overlay_start_2:
0x36: {  	(tag) =	ssettag $0x2  }
0x37: {  	s0 =	rddreg [dreg:$0x0];
	s2 =	stileid.u32  }
0x38: {  	s1 =	rddreg [dreg:$0x1];
	p0 =	sne.s32 s2, $0x0  }
0x39: {  	s3 =	rddreg [dreg:$0x2];
	[bflag:$0x3] =	sbarrier.arrive $0xFFFF;
	s2 =	simm.s32 @!p0 $0x1C01  }
0x3a: {  	[timem:s3], [sflag:s2] =	dma.local @!p0 [hbm:s0], s1  }
0x3b: {  	s0 =	simm.s32 @!p0 $0x1  }
0x3c: {  	_ =	swait.ge @!p0 [sflag:s0], s1  }
0x3d: {  	s1 =	ssub.s32 @!p0 $0x0, s1;
	[sflag:s0] =	ssyncset.done @!p0 $0x0  }
0x3e: {  	[sflag:s0] =	ssyncadd.s32 @!p0 s1  }
0x3f: {  	[bflag:$0x3] =	sbarrier.arrive $0xFFFF  }
0x40: {  	_ =	shalt  }

</sc_bundles>
